<compile_context>
chip_gen: v7x
topology: tpu7x:2x2x1
jax: 0.10.2.dev20260603
libtpu: 0.0.44.dev20260713+nightly
codegen_flags: <defaults>
</compile_context>

<pallas_src>
import functools

import jax
import jax.numpy as jnp
from jax import lax
from jax.experimental import pallas as pl
from jax.experimental.pallas import tpu as pltpu
from jax.experimental.pallas import tpu_sc as plsc

_ALL_ANCHORS = [(12, 16), (19, 36), (40, 28), (36, 75), (76, 55),
                (72, 146), (142, 110), (192, 243), (459, 401)]
_ANCHOR_MASK = [6, 7, 8]
_AW = [float(_ALL_ANCHORS[i][0]) for i in _ANCHOR_MASK]
_AH = [float(_ALL_ANCHORS[i][1]) for i in _ANCHOR_MASK]
_N_ATTRS = 85
_N_ANCHORS = 3
_G = 19
_CH = 255
_HSPAN = 11
_ROWS_DMA = 632
_ROW_OFF = 456
_C0S = (16, 32, 48, 64, 69)


def _sc_body(x_hbm, stride_hbm, out_hbm, in_v, out_v, sv_v, sem):
    del sem
    cid = lax.axis_index("c")
    sid = lax.axis_index("s")
    wid = sid * 2 + cid
    b = wid // 2
    half = wid % 2
    h0 = half * 8

    pltpu.sync_copy(stride_hbm, sv_v)
    sv = sv_v[...]

    iota = lax.broadcasted_iota(jnp.int32, (16,), 0)
    is_wh = (iota == 2) | (iota == 3)
    sgn0 = jnp.where(is_wh, jnp.float32(1.0), jnp.float32(-1.0))
    mul0 = []
    for a in range(_N_ANCHORS):
        mul0.append(jnp.where(iota < 2, sv,
                    jnp.where(iota == 2, _AW[a],
                    jnp.where(iota == 3, _AH[a], 1.0))))

    def do_cell(r0, w, gy_f):
        gx = w.astype(jnp.float32)
        widx = jnp.full((16,), w, jnp.int32)
        addv = jnp.where(iota == 0, gx, jnp.where(iota == 1, gy_f, 0.0))
        for a in range(_N_ANCHORS):
            r = r0 + _N_ANCHORS * w + a
            base = a * _N_ATTRS
            t = plsc.load_gather(in_v, [base + iota, widx])
            p = jnp.exp(t * sgn0)
            val = jnp.where(is_wh, p, 1.0 / (1.0 + p))
            out_v[r, pl.ds(0, 16)] = (val + addv) * mul0[a]
            for c0 in _C0S:
                t2 = plsc.load_gather(in_v, [base + c0 + iota, widx])
                out_v[r, pl.ds(c0, 16)] = 1.0 / (1.0 + jnp.exp(-t2))

    def hbody(hl, carry):
        pltpu.sync_copy(x_hbm.at[b, :, h0 + hl, :], in_v)
        gy = (h0 + hl).astype(jnp.float32)

        def cell(w, carry2):
            do_cell(_N_ANCHORS * _G * hl, w, gy)
            return carry2

        lax.fori_loop(0, _G, cell, 0)
        return carry

    lax.fori_loop(0, _HSPAN, hbody, 0)

    hx = jnp.minimum(h0 + _HSPAN, _G - 1)
    pltpu.sync_copy(x_hbm.at[b, :, hx, :], in_v)
    gyx = hx.astype(jnp.float32)

    def xcell(w, carry2):
        do_cell(_N_ANCHORS * _G * _HSPAN, w, gyx)
        return carry2

    lax.fori_loop(0, 2, xcell, 0)

    pltpu.sync_copy(out_v.at[pl.ds(0, _ROWS_DMA), :],
                    out_hbm.at[b, pl.ds(half * _ROW_OFF, _ROWS_DMA), :])


def kernel(x, input_dim):
    b, ch, h, w = x.shape
    hw = h * w
    stride = jnp.floor(jnp.asarray(input_dim, jnp.float32) / jnp.float32(h))
    stridevec = jnp.full((16,), stride, jnp.float32)

    mesh = plsc.VectorSubcoreMesh(core_axis_name="c", subcore_axis_name="s",
                                  num_cores=2, num_subcores=16)
    run = functools.partial(
        pl.kernel,
        out_type=jax.ShapeDtypeStruct((b, hw * _N_ANCHORS, _N_ATTRS),
                                      jnp.float32),
        mesh=mesh,
        compiler_params=pltpu.CompilerParams(needs_layout_passes=False,
                                             disable_bounds_checks=True),
        scratch_types=[
            pltpu.VMEM((_CH, _G), jnp.float32),
            pltpu.VMEM((_N_ANCHORS * _G * _HSPAN + 9, _N_ATTRS), jnp.float32),
            pltpu.VMEM((16,), jnp.float32),
            pltpu.SemaphoreType.DMA,
        ],
    )(_sc_body)
    return run(x, stridevec)

# --- scband reference (transcript-rebuilt; emitter-appended) ---
"""Pipeline reference for scband-yolo-layer-51075751084308 (READ-ONLY COPY).

The authoritative reference and input builder live on the scoring server;
editing this copy changes nothing except your own understanding.
"""

import jax, jax.numpy as jnp
import numpy as np

ALL_ANCHORS = [(12,16),(19,36),(40,28),(36,75),(76,55),(72,146),(142,110),(192,243),(459,401)]
ANCHOR_MASK = [6,7,8]
N_CLASSES = 80
SCALE_XY = 1.0


def setup_inputs(seed: int = 0) -> dict:
    key = jax.random.key(seed)
    x = jax.random.normal(key, (16, 255, 19, 19), dtype=jnp.float32)
    return {"x": x, "input_dim": 608}


def _yolo_inference(x, input_dim):
    batch_num = x.shape[0]
    grid_dim = x.shape[2]
    grid_stride = input_dim // grid_dim
    attrs_per_anchor = N_CLASSES + 5
    n_anchors = len(ANCHOR_MASK)
    anchors = jnp.array(
        [(ALL_ANCHORS[i][0] / grid_stride, ALL_ANCHORS[i][1] / grid_stride) for i in ANCHOR_MASK],
        dtype=jnp.float32,
    )  # [A, 2]
    x = x.reshape(batch_num, n_anchors, attrs_per_anchor, grid_dim, grid_dim)
    x = jnp.transpose(x, (0, 3, 4, 1, 2))  # [B, H, W, A, attrs]
    # yolo_transform: sigmoid tx/ty (with scale_xy), exp tw/th * anchors, sigmoid obj+cls
    txty = jax.nn.sigmoid(x[..., 0:2])
    txty = txty * SCALE_XY - (SCALE_XY - 1.0) / 2.0
    twth = jnp.exp(x[..., 2:4]) * anchors  # broadcast [A,2] over [B,H,W,A,2]
    objcls = jax.nn.sigmoid(x[..., 4:])
    # add_grid_offsets: tx += col index (w), ty += row index (h)
    gy, gx = jnp.meshgrid(jnp.arange(grid_dim, dtype=jnp.float32), jnp.arange(grid_dim, dtype=jnp.float32), indexing="ij")
    tx = txty[..., 0] + gx[None, :, :, None]
    ty = txty[..., 1] + gy[None, :, :, None]
    bbox = jnp.concatenate([tx[..., None], ty[..., None], twth], axis=-1)
    bbox = bbox * jnp.float32(grid_stride)
    out = jnp.concatenate([bbox, objcls], axis=-1)
    out = out.reshape(batch_num, grid_dim * grid_dim * n_anchors, attrs_per_anchor)
    return out


def reference(x, input_dim):
    return _yolo_inference(x, input_dim)

if __name__ == "__main__":
    import jax
    _d = setup_inputs()
    print(jax.jit(kernel)(*tuple(_d.values())))

</pallas_src>

<mosaic_0001>
#map = affine_map<(d0, d1) -> (0, 0, 0, 0)>
#map1 = affine_map<(d0, d1) -> (0)>
#map2 = affine_map<(d0, d1) -> (0, 0, 0)>
module attributes {stable_mosaic.version = 14 : i64} {
  func.func @_sc_body(%arg0: i32, %arg1: i32, %arg2: memref<16x255x19x19xf32, #tpu.memory_space<hbm>>, %arg3: memref<16xf32, #tpu.memory_space<hbm>>, %arg4: memref<16x1083x85xf32, #tpu.memory_space<hbm>>, %arg5: memref<255x19xf32, #tpu.memory_space<vmem>>, %arg6: memref<636x85xf32, #tpu.memory_space<vmem>>, %arg7: memref<16xf32, #tpu.memory_space<vmem>>, %arg8: memref<!tpu.dma_semaphore, #tpu.memory_space<semaphore_mem>>) attributes {dimension_semantics = [#tpu.dimension_semantics<core_parallel>, #tpu.dimension_semantics<subcore_parallel>], iteration_bounds = array<i64: 2, 16>, scalar_prefetch = 0 : i64, scratch_operands = 4 : i64, tpu.core_type = #tpu.core_type<sc_vector_subcore>, window_params = [{transform_indices = #map}, {transform_indices = #map1}, {transform_indices = #map2}]} {
    %mul3A = arith.constant 2 : i32
    %mul3A_0 = arith.muli %arg1, %mul3A : i32
    %add3A = arith.addi %mul3A_0, %arg0 : i32
    %jit3A = arith.constant 2 : i32
    %div3A = arith.divsi %add3A, %jit3A : i32
    %sign3A = arith.constant 0 : i32
    %sign3A_1 = arith.cmpi sgt, %add3A, %sign3A : i32
    %sign3A_2 = arith.extui %sign3A_1 : i1 to i32
    %sign3A_3 = arith.constant 0 : i32
    %sign3A_4 = arith.cmpi slt, %add3A, %sign3A_3 : i32
    %sign3A_5 = arith.extui %sign3A_4 : i1 to i32
    %sign3A_6 = arith.subi %sign3A_2, %sign3A_5 : i32
    %sign3A_7 = arith.constant 0 : i32
    %sign3A_8 = arith.cmpi sgt, %jit3A, %sign3A_7 : i32
    %sign3A_9 = arith.extui %sign3A_8 : i1 to i32
    %sign3A_10 = arith.constant 0 : i32
    %sign3A_11 = arith.cmpi slt, %jit3A, %sign3A_10 : i32
    %sign3A_12 = arith.extui %sign3A_11 : i1 to i32
    %sign3A_13 = arith.subi %sign3A_9, %sign3A_12 : i32
    %ne3A = arith.cmpi ne, %sign3A_6, %sign3A_13 : i32
    %rem3A = arith.remsi %add3A, %jit3A : i32
    %ne3A_14 = arith.constant 0 : i32
    %ne3A_15 = arith.cmpi ne, %rem3A, %ne3A_14 : i32
    %and3A = arith.andi %ne3A, %ne3A_15 : i1
    %sub3A = arith.constant 1 : i32
    %sub3A_16 = arith.subi %div3A, %sub3A : i32
    %select_n3A = arith.select %and3A, %sub3A_16, %div3A : i32
    %jit3A_17 = arith.constant 2 : i32
    %eq3A = arith.constant 0 : i32
    %eq3A_18 = arith.cmpi eq, %jit3A_17, %eq3A : i32
    %jit3A_19 = arith.constant 1 : i32
    %select_n3A_20 = arith.select %eq3A_18, %jit3A_19, %jit3A_17 : i32
    %rem3A_21 = arith.remsi %add3A, %select_n3A_20 : i32
    %ne3A_22 = arith.constant 0 : i32
    %ne3A_23 = arith.cmpi ne, %rem3A_21, %ne3A_22 : i32
    %lt3A = arith.constant 0 : i32
    %lt3A_24 = arith.cmpi slt, %rem3A_21, %lt3A : i32
    %lt3A_25 = arith.constant 0 : i32
    %lt3A_26 = arith.cmpi slt, %select_n3A_20, %lt3A_25 : i32
    %ne3A_27 = arith.xori %lt3A_24, %lt3A_26 : i1
    %and3A_28 = arith.andi %ne3A_27, %ne3A_23 : i1
    %add3A_29 = arith.addi %rem3A_21, %select_n3A_20 : i32
    %select_n3A_30 = arith.select %and3A_28, %add3A_29, %rem3A_21 : i32
    %mul3A_31 = arith.constant 8 : i32
    %mul3A_32 = arith.muli %select_n3A_30, %mul3A_31 : i32
    "tpu.region"() ({
      %run_scoped3A = tpu.sem_alloc : memref<!tpu.dma_semaphore, #tpu.memory_space<semaphore_mem>>
      tpu.enqueue_dma source(%arg3 : memref<16xf32, #tpu.memory_space<hbm>>) target(%arg7 : memref<16xf32, #tpu.memory_space<vmem>>) target_semaphore(%run_scoped3A : memref<!tpu.dma_semaphore, #tpu.memory_space<semaphore_mem>>)
      tpu.wait_dma2 semaphore(%run_scoped3A : memref<!tpu.dma_semaphore, #tpu.memory_space<semaphore_mem>>) src(%arg3 : memref<16xf32, #tpu.memory_space<hbm>>) dst(%arg7 : memref<16xf32, #tpu.memory_space<vmem>>)
      tpu.yield
    }) : () -> ()
    %get3A = arith.constant 0 : index
    %get3A_33 = tpu.vector_load %arg7[%get3A] {strides = array<i32>} : memref<16xf32, #tpu.memory_space<vmem>>, vector<16xf32>,
    %iota3A = tpu.iota {dimensions = array<i32: 0>} : vector<16xi32>
    %eq3A_34 = arith.constant 2 : i32
    %eq3A_35 = vector.broadcast %eq3A_34 : i32 to vector<16xi32>
    %eq3A_36 = arith.cmpi eq, %iota3A, %eq3A_35 : vector<16xi32>
    %eq3A_37 = arith.constant 3 : i32
    %eq3A_38 = vector.broadcast %eq3A_37 : i32 to vector<16xi32>
    %eq3A_39 = arith.cmpi eq, %iota3A, %eq3A_38 : vector<16xi32>
    %or3A = arith.ori %eq3A_36, %eq3A_39 : vector<16xi1>
    %jit3A_40 = arith.constant 1.000000e+00 : f32
    %jit3A_41 = arith.constant -1.000000e+00 : f32
    %broadcast_in_dim3A = vector.broadcast %jit3A_40 : f32 to vector<16xf32>
    %broadcast_in_dim3A_42 = vector.broadcast %jit3A_41 : f32 to vector<16xf32>
    %select_n3A_43 = arith.select %or3A, %broadcast_in_dim3A, %broadcast_in_dim3A_42 : vector<16xi1>, vector<16xf32>
    %lt3A_44 = arith.constant 2 : i32
    %lt3A_45 = vector.broadcast %lt3A_44 : i32 to vector<16xi32>
    %lt3A_46 = arith.cmpi slt, %iota3A, %lt3A_45 : vector<16xi32>
    %eq3A_47 = arith.constant 2 : i32
    %eq3A_48 = vector.broadcast %eq3A_47 : i32 to vector<16xi32>
    %eq3A_49 = arith.cmpi eq, %iota3A, %eq3A_48 : vector<16xi32>
    %eq3A_50 = arith.constant 3 : i32
    %eq3A_51 = vector.broadcast %eq3A_50 : i32 to vector<16xi32>
    %eq3A_52 = arith.cmpi eq, %iota3A, %eq3A_51 : vector<16xi32>
    %jit3A_53 = arith.constant 1.100000e+02 : f32
    %jit3A_54 = arith.constant 1.000000e+00 : f32
    %broadcast_in_dim3A_55 = vector.broadcast %jit3A_53 : f32 to vector<16xf32>
    %broadcast_in_dim3A_56 = vector.broadcast %jit3A_54 : f32 to vector<16xf32>
    %select_n3A_57 = arith.select %eq3A_52, %broadcast_in_dim3A_55, %broadcast_in_dim3A_56 : vector<16xi1>, vector<16xf32>
    %jit3A_58 = arith.constant 1.420000e+02 : f32
    %broadcast_in_dim3A_59 = vector.broadcast %jit3A_58 : f32 to vector<16xf32>
    %select_n3A_60 = arith.select %eq3A_49, %broadcast_in_dim3A_59, %select_n3A_57 : vector<16xi1>, vector<16xf32>
    %select_n3A_61 = arith.select %lt3A_46, %get3A_33, %select_n3A_60 : vector<16xi1>, vector<16xf32>
    %lt3A_62 = arith.constant 2 : i32
    %lt3A_63 = vector.broadcast %lt3A_62 : i32 to vector<16xi32>
    %lt3A_64 = arith.cmpi slt, %iota3A, %lt3A_63 : vector<16xi32>
    %eq3A_65 = arith.constant 2 : i32
    %eq3A_66 = vector.broadcast %eq3A_65 : i32 to vector<16xi32>
    %eq3A_67 = arith.cmpi eq, %iota3A, %eq3A_66 : vector<16xi32>
    %eq3A_68 = arith.constant 3 : i32
    %eq3A_69 = vector.broadcast %eq3A_68 : i32 to vector<16xi32>
    %eq3A_70 = arith.cmpi eq, %iota3A, %eq3A_69 : vector<16xi32>
    %jit3A_71 = arith.constant 2.430000e+02 : f32
    %jit3A_72 = arith.constant 1.000000e+00 : f32
    %broadcast_in_dim3A_73 = vector.broadcast %jit3A_71 : f32 to vector<16xf32>
    %broadcast_in_dim3A_74 = vector.broadcast %jit3A_72 : f32 to vector<16xf32>
    %select_n3A_75 = arith.select %eq3A_70, %broadcast_in_dim3A_73, %broadcast_in_dim3A_74 : vector<16xi1>, vector<16xf32>
    %jit3A_76 = arith.constant 1.920000e+02 : f32
    %broadcast_in_dim3A_77 = vector.broadcast %jit3A_76 : f32 to vector<16xf32>
    %select_n3A_78 = arith.select %eq3A_67, %broadcast_in_dim3A_77, %select_n3A_75 : vector<16xi1>, vector<16xf32>
    %select_n3A_79 = arith.select %lt3A_64, %get3A_33, %select_n3A_78 : vector<16xi1>, vector<16xf32>
    %lt3A_80 = arith.constant 2 : i32
    %lt3A_81 = vector.broadcast %lt3A_80 : i32 to vector<16xi32>
    %lt3A_82 = arith.cmpi slt, %iota3A, %lt3A_81 : vector<16xi32>
    %eq3A_83 = arith.constant 2 : i32
    %eq3A_84 = vector.broadcast %eq3A_83 : i32 to vector<16xi32>
    %eq3A_85 = arith.cmpi eq, %iota3A, %eq3A_84 : vector<16xi32>
    %eq3A_86 = arith.constant 3 : i32
    %eq3A_87 = vector.broadcast %eq3A_86 : i32 to vector<16xi32>
    %eq3A_88 = arith.cmpi eq, %iota3A, %eq3A_87 : vector<16xi32>
    %jit3A_89 = arith.constant 4.010000e+02 : f32
    %jit3A_90 = arith.constant 1.000000e+00 : f32
    %broadcast_in_dim3A_91 = vector.broadcast %jit3A_89 : f32 to vector<16xf32>
    %broadcast_in_dim3A_92 = vector.broadcast %jit3A_90 : f32 to vector<16xf32>
    %select_n3A_93 = arith.select %eq3A_88, %broadcast_in_dim3A_91, %broadcast_in_dim3A_92 : vector<16xi1>, vector<16xf32>
    %jit3A_94 = arith.constant 4.590000e+02 : f32
    %broadcast_in_dim3A_95 = vector.broadcast %jit3A_94 : f32 to vector<16xf32>
    %select_n3A_96 = arith.select %eq3A_85, %broadcast_in_dim3A_95, %select_n3A_93 : vector<16xi1>, vector<16xf32>
    %select_n3A_97 = arith.select %lt3A_82, %get3A_33, %select_n3A_96 : vector<16xi1>, vector<16xf32>
    %scan3A = arith.constant 0 : i32
    %scan3A_98 = arith.constant 0 : i32
    %scan3A_99 = arith.constant 11 : i32
    %scan3A_100 = arith.addi %scan3A_98, %scan3A_99 : i32
    %scan3A_101 = arith.constant 1 : i32
    scf.for %scan3A_114 = %scan3A_98 to %scan3A_100 step %scan3A_101  : i32 {
      %add3A_115 = arith.addi %mul3A_32, %scan3A_114 : i32
      "tpu.region"() ({
        %run_scoped3A = tpu.sem_alloc : memref<!tpu.dma_semaphore, #tpu.memory_space<semaphore_mem>>
        %dma_start3A = arith.constant 0 : i32
        %dma_start3A_124 = arith.constant 0 : i32
        %dma_start3A_125 = tpu.memref_slice %arg2[%select_n3A, %dma_start3A, %add3A_115, %dma_start3A_124] : memref<16x255x19x19xf32, #tpu.memory_space<hbm>> -> memref<1x255x1x19xf32, #tpu.memory_space<hbm>>
        %dma_start3A_126 = tpu.memref_squeeze %dma_start3A_125 : memref<1x255x1x19xf32, #tpu.memory_space<hbm>> -> memref<255x19xf32, #tpu.memory_space<hbm>>
        %dma_start3A_127 = arith.constant 0 : i32
        %dma_start3A_128 = arith.constant 0 : i32
        %dma_start3A_129 = tpu.memref_slice %arg2[%select_n3A, %dma_start3A_127, %add3A_115, %dma_start3A_128] : memref<16x255x19x19xf32, #tpu.memory_space<hbm>> -> memref<1x255x1x19xf32, #tpu.memory_space<hbm>>
        %dma_start3A_130 = tpu.memref_squeeze %dma_start3A_129 : memref<1x255x1x19xf32, #tpu.memory_space<hbm>> -> memref<255x19xf32, #tpu.memory_space<hbm>>
        tpu.enqueue_dma source(%dma_start3A_130 : memref<255x19xf32, #tpu.memory_space<hbm>>) target(%arg5 : memref<255x19xf32, #tpu.memory_space<vmem>>) target_semaphore(%run_scoped3A : memref<!tpu.dma_semaphore, #tpu.memory_space<semaphore_mem>>)
        %dma_wait3A = arith.constant 0 : i32
        %dma_wait3A_131 = arith.constant 0 : i32
        %dma_wait3A_132 = tpu.memref_slice %arg2[%select_n3A, %dma_wait3A, %add3A_115, %dma_wait3A_131] : memref<16x255x19x19xf32, #tpu.memory_space<hbm>> -> memref<1x255x1x19xf32, #tpu.memory_space<hbm>>
        %dma_wait3A_133 = tpu.memref_squeeze %dma_wait3A_132 : memref<1x255x1x19xf32, #tpu.memory_space<hbm>> -> memref<255x19xf32, #tpu.memory_space<hbm>>
        %dma_wait3A_134 = arith.constant 0 : i32
        %dma_wait3A_135 = arith.constant 0 : i32
        %dma_wait3A_136 = tpu.memref_slice %arg2[%select_n3A, %dma_wait3A_134, %add3A_115, %dma_wait3A_135] : memref<16x255x19x19xf32, #tpu.memory_space<hbm>> -> memref<1x255x1x19xf32, #tpu.memory_space<hbm>>
        %dma_wait3A_137 = tpu.memref_squeeze %dma_wait3A_136 : memref<1x255x1x19xf32, #tpu.memory_space<hbm>> -> memref<255x19xf32, #tpu.memory_space<hbm>>
        tpu.wait_dma2 semaphore(%run_scoped3A : memref<!tpu.dma_semaphore, #tpu.memory_space<semaphore_mem>>) src(%dma_wait3A_137 : memref<255x19xf32, #tpu.memory_space<hbm>>) dst(%arg5 : memref<255x19xf32, #tpu.memory_space<vmem>>)
        tpu.yield
      }) : () -> ()
      %add3A_116 = arith.addi %mul3A_32, %scan3A_114 : i32
      %convert_element_type3A_117 = arith.sitofp %add3A_116 : i32 to f32
      %scan3A_118 = arith.constant 0 : i32
      %scan3A_119 = arith.constant 0 : i32
      %scan3A_120 = arith.constant 19 : i32
      %scan3A_121 = arith.addi %scan3A_119, %scan3A_120 : i32
      %scan3A_122 = arith.constant 1 : i32
      scf.for %scan3A_124 = %scan3A_119 to %scan3A_121 step %scan3A_122  : i32 {
        %mul3A_125 = arith.constant 57 : i32
        %mul3A_126 = arith.muli %mul3A_125, %scan3A_114 : i32
        %convert_element_type3A_127 = arith.sitofp %scan3A_124 : i32 to f32
        %broadcast_in_dim3A_128 = vector.broadcast %scan3A_124 : i32 to vector<16xi32>
        %eq3A_129 = arith.constant 0 : i32
        %eq3A_130 = vector.broadcast %eq3A_129 : i32 to vector<16xi32>
        %eq3A_131 = arith.cmpi eq, %iota3A, %eq3A_130 : vector<16xi32>
        %eq3A_132 = arith.constant 1 : i32
        %eq3A_133 = vector.broadcast %eq3A_132 : i32 to vector<16xi32>
        %eq3A_134 = arith.cmpi eq, %iota3A, %eq3A_133 : vector<16xi32>
        %jit3A_135 = arith.constant 0.000000e+00 : f32
        %broadcast_in_dim3A_136 = vector.broadcast %convert_element_type3A_117 : f32 to vector<16xf32>
        %broadcast_in_dim3A_137 = vector.broadcast %jit3A_135 : f32 to vector<16xf32>
        %select_n3A_138 = arith.select %eq3A_134, %broadcast_in_dim3A_136, %broadcast_in_dim3A_137 : vector<16xi1>, vector<16xf32>
        %broadcast_in_dim3A_139 = vector.broadcast %convert_element_type3A_127 : f32 to vector<16xf32>
        %select_n3A_140 = arith.select %eq3A_131, %broadcast_in_dim3A_139, %select_n3A_138 : vector<16xi1>, vector<16xf32>
        %mul3A_141 = arith.constant 3 : i32
        %mul3A_142 = arith.muli %mul3A_141, %scan3A_124 : i32
        %add3A_143 = arith.addi %mul3A_126, %mul3A_142 : i32
        %add3A_144 = arith.constant 0 : i32
        %add3A_145 = arith.addi %add3A_143, %add3A_144 : i32
        %add3A_146 = arith.constant 0 : i32
        %add3A_147 = vector.broadcast %add3A_146 : i32 to vector<16xi32>
        %add3A_148 = arith.addi %add3A_147, %iota3A : vector<16xi32>
        %gather3A = tpu.vector_load_idx %arg5[%add3A_148, %broadcast_in_dim3A_128] : memref<255x19xf32, #tpu.memory_space<vmem>>[vector<16xi32>, vector<16xi32>], vector<16xf32>,
        %mul3A_149 = arith.mulf %gather3A, %select_n3A_43 : vector<16xf32>
        %exp3A = math.exp %mul3A_149 : vector<16xf32>
        %add3A_150 = arith.constant 1.000000e+00 : f32
        %add3A_151 = vector.broadcast %add3A_150 : f32 to vector<16xf32>
        %add3A_152 = arith.addf %add3A_151, %exp3A : vector<16xf32>
        %div3A_153 = arith.constant 1.000000e+00 : f32
        %div3A_154 = vector.broadcast %div3A_153 : f32 to vector<16xf32>
        %div3A_155 = arith.divf %div3A_154, %add3A_152 : vector<16xf32>
        %select_n3A_156 = arith.select %or3A, %exp3A, %div3A_155 : vector<16xi1>, vector<16xf32>
        %add3A_157 = arith.addf %select_n3A_156, %select_n3A_140 : vector<16xf32>
        %mul3A_158 = arith.mulf %add3A_157, %select_n3A_61 : vector<16xf32>
        %swap3A = arith.index_cast %add3A_145 : i32 to index
        %swap3A_159 = arith.constant 0 : index
        %swap3A_160 = tpu.vector_load %arg6[%swap3A, %swap3A_159] {strides = array<i32>} : memref<636x85xf32, #tpu.memory_space<vmem>>, vector<16xf32>,
        tpu.vector_store %arg6[%swap3A, %swap3A_159], %mul3A_158 {strides = array<i32>} : memref<636x85xf32, #tpu.memory_space<vmem>>, vector<16xf32>,
        %add3A_161 = arith.constant 16 : i32
        %add3A_162 = vector.broadcast %add3A_161 : i32 to vector<16xi32>
        %add3A_163 = arith.addi %add3A_162, %iota3A : vector<16xi32>
        %gather3A_164 = tpu.vector_load_idx %arg5[%add3A_163, %broadcast_in_dim3A_128] : memref<255x19xf32, #tpu.memory_space<vmem>>[vector<16xi32>, vector<16xi32>], vector<16xf32>,
        %neg3A = arith.constant 0.000000e+00 : f32
        %neg3A_165 = vector.broadcast %neg3A : f32 to vector<16xf32>
        %neg3A_166 = arith.subf %neg3A_165, %gather3A_164 : vector<16xf32>
        %exp3A_167 = math.exp %neg3A_166 : vector<16xf32>
        %add3A_168 = arith.constant 1.000000e+00 : f32
        %add3A_169 = vector.broadcast %add3A_168 : f32 to vector<16xf32>
        %add3A_170 = arith.addf %add3A_169, %exp3A_167 : vector<16xf32>
        %div3A_171 = arith.constant 1.000000e+00 : f32
        %div3A_172 = vector.broadcast %div3A_171 : f32 to vector<16xf32>
        %div3A_173 = arith.divf %div3A_172, %add3A_170 : vector<16xf32>
        %swap3A_174 = arith.index_cast %add3A_145 : i32 to index
        %swap3A_175 = arith.constant 16 : index
        %swap3A_176 = tpu.vector_load %arg6[%swap3A_174, %swap3A_175] {strides = array<i32>} : memref<636x85xf32, #tpu.memory_space<vmem>>, vector<16xf32>,
        tpu.vector_store %arg6[%swap3A_174, %swap3A_175], %div3A_173 {strides = array<i32>} : memref<636x85xf32, #tpu.memory_space<vmem>>, vector<16xf32>,
        %add3A_177 = arith.constant 32 : i32
        %add3A_178 = vector.broadcast %add3A_177 : i32 to vector<16xi32>
        %add3A_179 = arith.addi %add3A_178, %iota3A : vector<16xi32>
        %gather3A_180 = tpu.vector_load_idx %arg5[%add3A_179, %broadcast_in_dim3A_128] : memref<255x19xf32, #tpu.memory_space<vmem>>[vector<16xi32>, vector<16xi32>], vector<16xf32>,
        %neg3A_181 = arith.constant 0.000000e+00 : f32
        %neg3A_182 = vector.broadcast %neg3A_181 : f32 to vector<16xf32>
        %neg3A_183 = arith.subf %neg3A_182, %gather3A_180 : vector<16xf32>
        %exp3A_184 = math.exp %neg3A_183 : vector<16xf32>
        %add3A_185 = arith.constant 1.000000e+00 : f32
        %add3A_186 = vector.broadcast %add3A_185 : f32 to vector<16xf32>
        %add3A_187 = arith.addf %add3A_186, %exp3A_184 : vector<16xf32>
        %div3A_188 = arith.constant 1.000000e+00 : f32
        %div3A_189 = vector.broadcast %div3A_188 : f32 to vector<16xf32>
        %div3A_190 = arith.divf %div3A_189, %add3A_187 : vector<16xf32>
        %swap3A_191 = arith.index_cast %add3A_145 : i32 to index
        %swap3A_192 = arith.constant 32 : index
        %swap3A_193 = tpu.vector_load %arg6[%swap3A_191, %swap3A_192] {strides = array<i32>} : memref<636x85xf32, #tpu.memory_space<vmem>>, vector<16xf32>,
        tpu.vector_store %arg6[%swap3A_191, %swap3A_192], %div3A_190 {strides = array<i32>} : memref<636x85xf32, #tpu.memory_space<vmem>>, vector<16xf32>,
        %add3A_194 = arith.constant 48 : i32
        %add3A_195 = vector.broadcast %add3A_194 : i32 to vector<16xi32>
        %add3A_196 = arith.addi %add3A_195, %iota3A : vector<16xi32>
        %gather3A_197 = tpu.vector_load_idx %arg5[%add3A_196, %broadcast_in_dim3A_128] : memref<255x19xf32, #tpu.memory_space<vmem>>[vector<16xi32>, vector<16xi32>], vector<16xf32>,
        %neg3A_198 = arith.constant 0.000000e+00 : f32
        %neg3A_199 = vector.broadcast %neg3A_198 : f32 to vector<16xf32>
        %neg3A_200 = arith.subf %neg3A_199, %gather3A_197 : vector<16xf32>
        %exp3A_201 = math.exp %neg3A_200 : vector<16xf32>
        %add3A_202 = arith.constant 1.000000e+00 : f32
        %add3A_203 = vector.broadcast %add3A_202 : f32 to vector<16xf32>
        %add3A_204 = arith.addf %add3A_203, %exp3A_201 : vector<16xf32>
        %div3A_205 = arith.constant 1.000000e+00 : f32
        %div3A_206 = vector.broadcast %div3A_205 : f32 to vector<16xf32>
        %div3A_207 = arith.divf %div3A_206, %add3A_204 : vector<16xf32>
        %swap3A_208 = arith.index_cast %add3A_145 : i32 to index
        %swap3A_209 = arith.constant 48 : index
        %swap3A_210 = tpu.vector_load %arg6[%swap3A_208, %swap3A_209] {strides = array<i32>} : memref<636x85xf32, #tpu.memory_space<vmem>>, vector<16xf32>,
        tpu.vector_store %arg6[%swap3A_208, %swap3A_209], %div3A_207 {strides = array<i32>} : memref<636x85xf32, #tpu.memory_space<vmem>>, vector<16xf32>,
        %add3A_211 = arith.constant 64 : i32
        %add3A_212 = vector.broadcast %add3A_211 : i32 to vector<16xi32>
        %add3A_213 = arith.addi %add3A_212, %iota3A : vector<16xi32>
        %gather3A_214 = tpu.vector_load_idx %arg5[%add3A_213, %broadcast_in_dim3A_128] : memref<255x19xf32, #tpu.memory_space<vmem>>[vector<16xi32>, vector<16xi32>], vector<16xf32>,
        %neg3A_215 = arith.constant 0.000000e+00 : f32
        %neg3A_216 = vector.broadcast %neg3A_215 : f32 to vector<16xf32>
        %neg3A_217 = arith.subf %neg3A_216, %gather3A_214 : vector<16xf32>
        %exp3A_218 = math.exp %neg3A_217 : vector<16xf32>
        %add3A_219 = arith.constant 1.000000e+00 : f32
        %add3A_220 = vector.broadcast %add3A_219 : f32 to vector<16xf32>
        %add3A_221 = arith.addf %add3A_220, %exp3A_218 : vector<16xf32>
        %div3A_222 = arith.constant 1.000000e+00 : f32
        %div3A_223 = vector.broadcast %div3A_222 : f32 to vector<16xf32>
        %div3A_224 = arith.divf %div3A_223, %add3A_221 : vector<16xf32>
        %swap3A_225 = arith.index_cast %add3A_145 : i32 to index
        %swap3A_226 = arith.constant 64 : index
        %swap3A_227 = tpu.vector_load %arg6[%swap3A_225, %swap3A_226] {strides = array<i32>} : memref<636x85xf32, #tpu.memory_space<vmem>>, vector<16xf32>,
        tpu.vector_store %arg6[%swap3A_225, %swap3A_226], %div3A_224 {strides = array<i32>} : memref<636x85xf32, #tpu.memory_space<vmem>>, vector<16xf32>,
        %add3A_228 = arith.constant 69 : i32
        %add3A_229 = vector.broadcast %add3A_228 : i32 to vector<16xi32>
        %add3A_230 = arith.addi %add3A_229, %iota3A : vector<16xi32>
        %gather3A_231 = tpu.vector_load_idx %arg5[%add3A_230, %broadcast_in_dim3A_128] : memref<255x19xf32, #tpu.memory_space<vmem>>[vector<16xi32>, vector<16xi32>], vector<16xf32>,
        %neg3A_232 = arith.constant 0.000000e+00 : f32
        %neg3A_233 = vector.broadcast %neg3A_232 : f32 to vector<16xf32>
        %neg3A_234 = arith.subf %neg3A_233, %gather3A_231 : vector<16xf32>
        %exp3A_235 = math.exp %neg3A_234 : vector<16xf32>
        %add3A_236 = arith.constant 1.000000e+00 : f32
        %add3A_237 = vector.broadcast %add3A_236 : f32 to vector<16xf32>
        %add3A_238 = arith.addf %add3A_237, %exp3A_235 : vector<16xf32>
        %div3A_239 = arith.constant 1.000000e+00 : f32
        %div3A_240 = vector.broadcast %div3A_239 : f32 to vector<16xf32>
        %div3A_241 = arith.divf %div3A_240, %add3A_238 : vector<16xf32>
        %swap3A_242 = arith.index_cast %add3A_145 : i32 to index
        %swap3A_243 = arith.constant 69 : index
        %swap3A_244 = tpu.vector_load %arg6[%swap3A_242, %swap3A_243] {strides = array<i32>} : memref<636x85xf32, #tpu.memory_space<vmem>>, vector<16xf32>,
        tpu.vector_store %arg6[%swap3A_242, %swap3A_243], %div3A_241 {strides = array<i32>} : memref<636x85xf32, #tpu.memory_space<vmem>>, vector<16xf32>,
        %mul3A_245 = arith.constant 3 : i32
        %mul3A_246 = arith.muli %mul3A_245, %scan3A_124 : i32
        %add3A_247 = arith.addi %mul3A_126, %mul3A_246 : i32
        %add3A_248 = arith.constant 1 : i32
        %add3A_249 = arith.addi %add3A_247, %add3A_248 : i32
        %add3A_250 = arith.constant 85 : i32
        %add3A_251 = vector.broadcast %add3A_250 : i32 to vector<16xi32>
        %add3A_252 = arith.addi %add3A_251, %iota3A : vector<16xi32>
        %gather3A_253 = tpu.vector_load_idx %arg5[%add3A_252, %broadcast_in_dim3A_128] : memref<255x19xf32, #tpu.memory_space<vmem>>[vector<16xi32>, vector<16xi32>], vector<16xf32>,
        %mul3A_254 = arith.mulf %gather3A_253, %select_n3A_43 : vector<16xf32>
        %exp3A_255 = math.exp %mul3A_254 : vector<16xf32>
        %add3A_256 = arith.constant 1.000000e+00 : f32
        %add3A_257 = vector.broadcast %add3A_256 : f32 to vector<16xf32>
        %add3A_258 = arith.addf %add3A_257, %exp3A_255 : vector<16xf32>
        %div3A_259 = arith.constant 1.000000e+00 : f32
        %div3A_260 = vector.broadcast %div3A_259 : f32 to vector<16xf32>
        %div3A_261 = arith.divf %div3A_260, %add3A_258 : vector<16xf32>
        %select_n3A_262 = arith.select %or3A, %exp3A_255, %div3A_261 : vector<16xi1>, vector<16xf32>
        %add3A_263 = arith.addf %select_n3A_262, %select_n3A_140 : vector<16xf32>
        %mul3A_264 = arith.mulf %add3A_263, %select_n3A_79 : vector<16xf32>
        %swap3A_265 = arith.index_cast %add3A_249 : i32 to index
        %swap3A_266 = arith.constant 0 : index
        %swap3A_267 = tpu.vector_load %arg6[%swap3A_265, %swap3A_266] {strides = array<i32>} : memref<636x85xf32, #tpu.memory_space<vmem>>, vector<16xf32>,
        tpu.vector_store %arg6[%swap3A_265, %swap3A_266], %mul3A_264 {strides = array<i32>} : memref<636x85xf32, #tpu.memory_space<vmem>>, vector<16xf32>,
        %add3A_268 = arith.constant 101 : i32
        %add3A_269 = vector.broadcast %add3A_268 : i32 to vector<16xi32>
        %add3A_270 = arith.addi %add3A_269, %iota3A : vector<16xi32>
        %gather3A_271 = tpu.vector_load_idx %arg5[%add3A_270, %broadcast_in_dim3A_128] : memref<255x19xf32, #tpu.memory_space<vmem>>[vector<16xi32>, vector<16xi32>], vector<16xf32>,
        %neg3A_272 = arith.constant 0.000000e+00 : f32
        %neg3A_273 = vector.broadcast %neg3A_272 : f32 to vector<16xf32>
        %neg3A_274 = arith.subf %neg3A_273, %gather3A_271 : vector<16xf32>
        %exp3A_275 = math.exp %neg3A_274 : vector<16xf32>
        %add3A_276 = arith.constant 1.000000e+00 : f32
        %add3A_277 = vector.broadcast %add3A_276 : f32 to vector<16xf32>
        %add3A_278 = arith.addf %add3A_277, %exp3A_275 : vector<16xf32>
        %div3A_279 = arith.constant 1.000000e+00 : f32
        %div3A_280 = vector.broadcast %div3A_279 : f32 to vector<16xf32>
        %div3A_281 = arith.divf %div3A_280, %add3A_278 : vector<16xf32>
        %swap3A_282 = arith.index_cast %add3A_249 : i32 to index
        %swap3A_283 = arith.constant 16 : index
        %swap3A_284 = tpu.vector_load %arg6[%swap3A_282, %swap3A_283] {strides = array<i32>} : memref<636x85xf32, #tpu.memory_space<vmem>>, vector<16xf32>,
        tpu.vector_store %arg6[%swap3A_282, %swap3A_283], %div3A_281 {strides = array<i32>} : memref<636x85xf32, #tpu.memory_space<vmem>>, vector<16xf32>,
        %add3A_285 = arith.constant 117 : i32
        %add3A_286 = vector.broadcast %add3A_285 : i32 to vector<16xi32>
        %add3A_287 = arith.addi %add3A_286, %iota3A : vector<16xi32>
        %gather3A_288 = tpu.vector_load_idx %arg5[%add3A_287, %broadcast_in_dim3A_128] : memref<255x19xf32, #tpu.memory_space<vmem>>[vector<16xi32>, vector<16xi32>], vector<16xf32>,
        %neg3A_289 = arith.constant 0.000000e+00 : f32
        %neg3A_290 = vector.broadcast %neg3A_289 : f32 to vector<16xf32>
        %neg3A_291 = arith.subf %neg3A_290, %gather3A_288 : vector<16xf32>
        %exp3A_292 = math.exp %neg3A_291 : vector<16xf32>
        %add3A_293 = arith.constant 1.000000e+00 : f32
        %add3A_294 = vector.broadcast %add3A_293 : f32 to vector<16xf32>
        %add3A_295 = arith.addf %add3A_294, %exp3A_292 : vector<16xf32>
        %div3A_296 = arith.constant 1.000000e+00 : f32
        %div3A_297 = vector.broadcast %div3A_296 : f32 to vector<16xf32>
        %div3A_298 = arith.divf %div3A_297, %add3A_295 : vector<16xf32>
        %swap3A_299 = arith.index_cast %add3A_249 : i32 to index
        %swap3A_300 = arith.constant 32 : index
        %swap3A_301 = tpu.vector_load %arg6[%swap3A_299, %swap3A_300] {strides = array<i32>} : memref<636x85xf32, #tpu.memory_space<vmem>>, vector<16xf32>,
        tpu.vector_store %arg6[%swap3A_299, %swap3A_300], %div3A_298 {strides = array<i32>} : memref<636x85xf32, #tpu.memory_space<vmem>>, vector<16xf32>,
        %add3A_302 = arith.constant 133 : i32
        %add3A_303 = vector.broadcast %add3A_302 : i32 to vector<16xi32>
        %add3A_304 = arith.addi %add3A_303, %iota3A : vector<16xi32>
        %gather3A_305 = tpu.vector_load_idx %arg5[%add3A_304, %broadcast_in_dim3A_128] : memref<255x19xf32, #tpu.memory_space<vmem>>[vector<16xi32>, vector<16xi32>], vector<16xf32>,
        %neg3A_306 = arith.constant 0.000000e+00 : f32
        %neg3A_307 = vector.broadcast %neg3A_306 : f32 to vector<16xf32>
        %neg3A_308 = arith.subf %neg3A_307, %gather3A_305 : vector<16xf32>
        %exp3A_309 = math.exp %neg3A_308 : vector<16xf32>
        %add3A_310 = arith.constant 1.000000e+00 : f32
        %add3A_311 = vector.broadcast %add3A_310 : f32 to vector<16xf32>
        %add3A_312 = arith.addf %add3A_311, %exp3A_309 : vector<16xf32>
        %div3A_313 = arith.constant 1.000000e+00 : f32
        %div3A_314 = vector.broadcast %div3A_313 : f32 to vector<16xf32>
        %div3A_315 = arith.divf %div3A_314, %add3A_312 : vector<16xf32>
        %swap3A_316 = arith.index_cast %add3A_249 : i32 to index
        %swap3A_317 = arith.constant 48 : index
        %swap3A_318 = tpu.vector_load %arg6[%swap3A_316, %swap3A_317] {strides = array<i32>} : memref<636x85xf32, #tpu.memory_space<vmem>>, vector<16xf32>,
        tpu.vector_store %arg6[%swap3A_316, %swap3A_317], %div3A_315 {strides = array<i32>} : memref<636x85xf32, #tpu.memory_space<vmem>>, vector<16xf32>,
        %add3A_319 = arith.constant 149 : i32
        %add3A_320 = vector.broadcast %add3A_319 : i32 to vector<16xi32>
        %add3A_321 = arith.addi %add3A_320, %iota3A : vector<16xi32>
        %gather3A_322 = tpu.vector_load_idx %arg5[%add3A_321, %broadcast_in_dim3A_128] : memref<255x19xf32, #tpu.memory_space<vmem>>[vector<16xi32>, vector<16xi32>], vector<16xf32>,
        %neg3A_323 = arith.constant 0.000000e+00 : f32
        %neg3A_324 = vector.broadcast %neg3A_323 : f32 to vector<16xf32>
        %neg3A_325 = arith.subf %neg3A_324, %gather3A_322 : vector<16xf32>
        %exp3A_326 = math.exp %neg3A_325 : vector<16xf32>
        %add3A_327 = arith.constant 1.000000e+00 : f32
        %add3A_328 = vector.broadcast %add3A_327 : f32 to vector<16xf32>
        %add3A_329 = arith.addf %add3A_328, %exp3A_326 : vector<16xf32>
        %div3A_330 = arith.constant 1.000000e+00 : f32
        %div3A_331 = vector.broadcast %div3A_330 : f32 to vector<16xf32>
        %div3A_332 = arith.divf %div3A_331, %add3A_329 : vector<16xf32>
        %swap3A_333 = arith.index_cast %add3A_249 : i32 to index
        %swap3A_334 = arith.constant 64 : index
        %swap3A_335 = tpu.vector_load %arg6[%swap3A_333, %swap3A_334] {strides = array<i32>} : memref<636x85xf32, #tpu.memory_space<vmem>>, vector<16xf32>,
        tpu.vector_store %arg6[%swap3A_333, %swap3A_334], %div3A_332 {strides = array<i32>} : memref<636x85xf32, #tpu.memory_space<vmem>>, vector<16xf32>,
        %add3A_336 = arith.constant 154 : i32
        %add3A_337 = vector.broadcast %add3A_336 : i32 to vector<16xi32>
        %add3A_338 = arith.addi %add3A_337, %iota3A : vector<16xi32>
        %gather3A_339 = tpu.vector_load_idx %arg5[%add3A_338, %broadcast_in_dim3A_128] : memref<255x19xf32, #tpu.memory_space<vmem>>[vector<16xi32>, vector<16xi32>], vector<16xf32>,
        %neg3A_340 = arith.constant 0.000000e+00 : f32
        %neg3A_341 = vector.broadcast %neg3A_340 : f32 to vector<16xf32>
        %neg3A_342 = arith.subf %neg3A_341, %gather3A_339 : vector<16xf32>
        %exp3A_343 = math.exp %neg3A_342 : vector<16xf32>
        %add3A_344 = arith.constant 1.000000e+00 : f32
        %add3A_345 = vector.broadcast %add3A_344 : f32 to vector<16xf32>
        %add3A_346 = arith.addf %add3A_345, %exp3A_343 : vector<16xf32>
        %div3A_347 = arith.constant 1.000000e+00 : f32
        %div3A_348 = vector.broadcast %div3A_347 : f32 to vector<16xf32>
        %div3A_349 = arith.divf %div3A_348, %add3A_346 : vector<16xf32>
        %swap3A_350 = arith.index_cast %add3A_249 : i32 to index
        %swap3A_351 = arith.constant 69 : index
        %swap3A_352 = tpu.vector_load %arg6[%swap3A_350, %swap3A_351] {strides = array<i32>} : memref<636x85xf32, #tpu.memory_space<vmem>>, vector<16xf32>,
        tpu.vector_store %arg6[%swap3A_350, %swap3A_351], %div3A_349 {strides = array<i32>} : memref<636x85xf32, #tpu.memory_space<vmem>>, vector<16xf32>,
        %mul3A_353 = arith.constant 3 : i32
        %mul3A_354 = arith.muli %mul3A_353, %scan3A_124 : i32
        %add3A_355 = arith.addi %mul3A_126, %mul3A_354 : i32
        %add3A_356 = arith.constant 2 : i32
        %add3A_357 = arith.addi %add3A_355, %add3A_356 : i32
        %add3A_358 = arith.constant 170 : i32
        %add3A_359 = vector.broadcast %add3A_358 : i32 to vector<16xi32>
        %add3A_360 = arith.addi %add3A_359, %iota3A : vector<16xi32>
        %gather3A_361 = tpu.vector_load_idx %arg5[%add3A_360, %broadcast_in_dim3A_128] : memref<255x19xf32, #tpu.memory_space<vmem>>[vector<16xi32>, vector<16xi32>], vector<16xf32>,
        %mul3A_362 = arith.mulf %gather3A_361, %select_n3A_43 : vector<16xf32>
        %exp3A_363 = math.exp %mul3A_362 : vector<16xf32>
        %add3A_364 = arith.constant 1.000000e+00 : f32
        %add3A_365 = vector.broadcast %add3A_364 : f32 to vector<16xf32>
        %add3A_366 = arith.addf %add3A_365, %exp3A_363 : vector<16xf32>
        %div3A_367 = arith.constant 1.000000e+00 : f32
        %div3A_368 = vector.broadcast %div3A_367 : f32 to vector<16xf32>
        %div3A_369 = arith.divf %div3A_368, %add3A_366 : vector<16xf32>
        %select_n3A_370 = arith.select %or3A, %exp3A_363, %div3A_369 : vector<16xi1>, vector<16xf32>
        %add3A_371 = arith.addf %select_n3A_370, %select_n3A_140 : vector<16xf32>
        %mul3A_372 = arith.mulf %add3A_371, %select_n3A_97 : vector<16xf32>
        %swap3A_373 = arith.index_cast %add3A_357 : i32 to index
        %swap3A_374 = arith.constant 0 : index
        %swap3A_375 = tpu.vector_load %arg6[%swap3A_373, %swap3A_374] {strides = array<i32>} : memref<636x85xf32, #tpu.memory_space<vmem>>, vector<16xf32>,
        tpu.vector_store %arg6[%swap3A_373, %swap3A_374], %mul3A_372 {strides = array<i32>} : memref<636x85xf32, #tpu.memory_space<vmem>>, vector<16xf32>,
        %add3A_376 = arith.constant 186 : i32
        %add3A_377 = vector.broadcast %add3A_376 : i32 to vector<16xi32>
        %add3A_378 = arith.addi %add3A_377, %iota3A : vector<16xi32>
        %gather3A_379 = tpu.vector_load_idx %arg5[%add3A_378, %broadcast_in_dim3A_128] : memref<255x19xf32, #tpu.memory_space<vmem>>[vector<16xi32>, vector<16xi32>], vector<16xf32>,
        %neg3A_380 = arith.constant 0.000000e+00 : f32
        %neg3A_381 = vector.broadcast %neg3A_380 : f32 to vector<16xf32>
        %neg3A_382 = arith.subf %neg3A_381, %gather3A_379 : vector<16xf32>
        %exp3A_383 = math.exp %neg3A_382 : vector<16xf32>
        %add3A_384 = arith.constant 1.000000e+00 : f32
        %add3A_385 = vector.broadcast %add3A_384 : f32 to vector<16xf32>
        %add3A_386 = arith.addf %add3A_385, %exp3A_383 : vector<16xf32>
        %div3A_387 = arith.constant 1.000000e+00 : f32
        %div3A_388 = vector.broadcast %div3A_387 : f32 to vector<16xf32>
        %div3A_389 = arith.divf %div3A_388, %add3A_386 : vector<16xf32>
        %swap3A_390 = arith.index_cast %add3A_357 : i32 to index
        %swap3A_391 = arith.constant 16 : index
        %swap3A_392 = tpu.vector_load %arg6[%swap3A_390, %swap3A_391] {strides = array<i32>} : memref<636x85xf32, #tpu.memory_space<vmem>>, vector<16xf32>,
        tpu.vector_store %arg6[%swap3A_390, %swap3A_391], %div3A_389 {strides = array<i32>} : memref<636x85xf32, #tpu.memory_space<vmem>>, vector<16xf32>,
        %add3A_393 = arith.constant 202 : i32
        %add3A_394 = vector.broadcast %add3A_393 : i32 to vector<16xi32>
        %add3A_395 = arith.addi %add3A_394, %iota3A : vector<16xi32>
        %gather3A_396 = tpu.vector_load_idx %arg5[%add3A_395, %broadcast_in_dim3A_128] : memref<255x19xf32, #tpu.memory_space<vmem>>[vector<16xi32>, vector<16xi32>], vector<16xf32>,
        %neg3A_397 = arith.constant 0.000000e+00 : f32
        %neg3A_398 = vector.broadcast %neg3A_397 : f32 to vector<16xf32>
        %neg3A_399 = arith.subf %neg3A_398, %gather3A_396 : vector<16xf32>
        %exp3A_400 = math.exp %neg3A_399 : vector<16xf32>
        %add3A_401 = arith.constant 1.000000e+00 : f32
        %add3A_402 = vector.broadcast %add3A_401 : f32 to vector<16xf32>
        %add3A_403 = arith.addf %add3A_402, %exp3A_400 : vector<16xf32>
        %div3A_404 = arith.constant 1.000000e+00 : f32
        %div3A_405 = vector.broadcast %div3A_404 : f32 to vector<16xf32>
        %div3A_406 = arith.divf %div3A_405, %add3A_403 : vector<16xf32>
        %swap3A_407 = arith.index_cast %add3A_357 : i32 to index
        %swap3A_408 = arith.constant 32 : index
        %swap3A_409 = tpu.vector_load %arg6[%swap3A_407, %swap3A_408] {strides = array<i32>} : memref<636x85xf32, #tpu.memory_space<vmem>>, vector<16xf32>,
        tpu.vector_store %arg6[%swap3A_407, %swap3A_408], %div3A_406 {strides = array<i32>} : memref<636x85xf32, #tpu.memory_space<vmem>>, vector<16xf32>,
        %add3A_410 = arith.constant 218 : i32
        %add3A_411 = vector.broadcast %add3A_410 : i32 to vector<16xi32>
        %add3A_412 = arith.addi %add3A_411, %iota3A : vector<16xi32>
        %gather3A_413 = tpu.vector_load_idx %arg5[%add3A_412, %broadcast_in_dim3A_128] : memref<255x19xf32, #tpu.memory_space<vmem>>[vector<16xi32>, vector<16xi32>], vector<16xf32>,
        %neg3A_414 = arith.constant 0.000000e+00 : f32
        %neg3A_415 = vector.broadcast %neg3A_414 : f32 to vector<16xf32>
        %neg3A_416 = arith.subf %neg3A_415, %gather3A_413 : vector<16xf32>
        %exp3A_417 = math.exp %neg3A_416 : vector<16xf32>
        %add3A_418 = arith.constant 1.000000e+00 : f32
        %add3A_419 = vector.broadcast %add3A_418 : f32 to vector<16xf32>
        %add3A_420 = arith.addf %add3A_419, %exp3A_417 : vector<16xf32>
        %div3A_421 = arith.constant 1.000000e+00 : f32
        %div3A_422 = vector.broadcast %div3A_421 : f32 to vector<16xf32>
        %div3A_423 = arith.divf %div3A_422, %add3A_420 : vector<16xf32>
        %swap3A_424 = arith.index_cast %add3A_357 : i32 to index
        %swap3A_425 = arith.constant 48 : index
        %swap3A_426 = tpu.vector_load %arg6[%swap3A_424, %swap3A_425] {strides = array<i32>} : memref<636x85xf32, #tpu.memory_space<vmem>>, vector<16xf32>,
        tpu.vector_store %arg6[%swap3A_424, %swap3A_425], %div3A_423 {strides = array<i32>} : memref<636x85xf32, #tpu.memory_space<vmem>>, vector<16xf32>,
        %add3A_427 = arith.constant 234 : i32
        %add3A_428 = vector.broadcast %add3A_427 : i32 to vector<16xi32>
        %add3A_429 = arith.addi %add3A_428, %iota3A : vector<16xi32>
        %gather3A_430 = tpu.vector_load_idx %arg5[%add3A_429, %broadcast_in_dim3A_128] : memref<255x19xf32, #tpu.memory_space<vmem>>[vector<16xi32>, vector<16xi32>], vector<16xf32>,
        %neg3A_431 = arith.constant 0.000000e+00 : f32
        %neg3A_432 = vector.broadcast %neg3A_431 : f32 to vector<16xf32>
        %neg3A_433 = arith.subf %neg3A_432, %gather3A_430 : vector<16xf32>
        %exp3A_434 = math.exp %neg3A_433 : vector<16xf32>
        %add3A_435 = arith.constant 1.000000e+00 : f32
        %add3A_436 = vector.broadcast %add3A_435 : f32 to vector<16xf32>
        %add3A_437 = arith.addf %add3A_436, %exp3A_434 : vector<16xf32>
        %div3A_438 = arith.constant 1.000000e+00 : f32
        %div3A_439 = vector.broadcast %div3A_438 : f32 to vector<16xf32>
        %div3A_440 = arith.divf %div3A_439, %add3A_437 : vector<16xf32>
        %swap3A_441 = arith.index_cast %add3A_357 : i32 to index
        %swap3A_442 = arith.constant 64 : index
        %swap3A_443 = tpu.vector_load %arg6[%swap3A_441, %swap3A_442] {strides = array<i32>} : memref<636x85xf32, #tpu.memory_space<vmem>>, vector<16xf32>,
        tpu.vector_store %arg6[%swap3A_441, %swap3A_442], %div3A_440 {strides = array<i32>} : memref<636x85xf32, #tpu.memory_space<vmem>>, vector<16xf32>,
        %add3A_444 = arith.constant 239 : i32
        %add3A_445 = vector.broadcast %add3A_444 : i32 to vector<16xi32>
        %add3A_446 = arith.addi %add3A_445, %iota3A : vector<16xi32>
        %gather3A_447 = tpu.vector_load_idx %arg5[%add3A_446, %broadcast_in_dim3A_128] : memref<255x19xf32, #tpu.memory_space<vmem>>[vector<16xi32>, vector<16xi32>], vector<16xf32>,
        %neg3A_448 = arith.constant 0.000000e+00 : f32
        %neg3A_449 = vector.broadcast %neg3A_448 : f32 to vector<16xf32>
        %neg3A_450 = arith.subf %neg3A_449, %gather3A_447 : vector<16xf32>
        %exp3A_451 = math.exp %neg3A_450 : vector<16xf32>
        %add3A_452 = arith.constant 1.000000e+00 : f32
        %add3A_453 = vector.broadcast %add3A_452 : f32 to vector<16xf32>
        %add3A_454 = arith.addf %add3A_453, %exp3A_451 : vector<16xf32>
        %div3A_455 = arith.constant 1.000000e+00 : f32
        %div3A_456 = vector.broadcast %div3A_455 : f32 to vector<16xf32>
        %div3A_457 = arith.divf %div3A_456, %add3A_454 : vector<16xf32>
        %swap3A_458 = arith.index_cast %add3A_357 : i32 to index
        %swap3A_459 = arith.constant 69 : index
        %swap3A_460 = tpu.vector_load %arg6[%swap3A_458, %swap3A_459] {strides = array<i32>} : memref<636x85xf32, #tpu.memory_space<vmem>>, vector<16xf32>,
        tpu.vector_store %arg6[%swap3A_458, %swap3A_459], %div3A_457 {strides = array<i32>} : memref<636x85xf32, #tpu.memory_space<vmem>>, vector<16xf32>,
      }
      %scan3A_123 = arith.constant 19 : i32
    }
    %scan3A_102 = arith.constant 11 : i32
    %add3A_103 = arith.constant 11 : i32
    %add3A_104 = arith.addi %mul3A_32, %add3A_103 : i32
    %min3A = arith.constant 18 : i32
    %min3A_105 = arith.minsi %add3A_104, %min3A : i32
    "tpu.region"() ({
      %run_scoped3A = tpu.sem_alloc : memref<!tpu.dma_semaphore, #tpu.memory_space<semaphore_mem>>
      %dma_start3A = arith.constant 0 : i32
      %dma_start3A_114 = arith.constant 0 : i32
      %dma_start3A_115 = tpu.memref_slice %arg2[%select_n3A, %dma_start3A, %min3A_105, %dma_start3A_114] : memref<16x255x19x19xf32, #tpu.memory_space<hbm>> -> memref<1x255x1x19xf32, #tpu.memory_space<hbm>>
      %dma_start3A_116 = tpu.memref_squeeze %dma_start3A_115 : memref<1x255x1x19xf32, #tpu.memory_space<hbm>> -> memref<255x19xf32, #tpu.memory_space<hbm>>
      %dma_start3A_117 = arith.constant 0 : i32
      %dma_start3A_118 = arith.constant 0 : i32
      %dma_start3A_119 = tpu.memref_slice %arg2[%select_n3A, %dma_start3A_117, %min3A_105, %dma_start3A_118] : memref<16x255x19x19xf32, #tpu.memory_space<hbm>> -> memref<1x255x1x19xf32, #tpu.memory_space<hbm>>
      %dma_start3A_120 = tpu.memref_squeeze %dma_start3A_119 : memref<1x255x1x19xf32, #tpu.memory_space<hbm>> -> memref<255x19xf32, #tpu.memory_space<hbm>>
      tpu.enqueue_dma source(%dma_start3A_120 : memref<255x19xf32, #tpu.memory_space<hbm>>) target(%arg5 : memref<255x19xf32, #tpu.memory_space<vmem>>) target_semaphore(%run_scoped3A : memref<!tpu.dma_semaphore, #tpu.memory_space<semaphore_mem>>)
      %dma_wait3A = arith.constant 0 : i32
      %dma_wait3A_121 = arith.constant 0 : i32
      %dma_wait3A_122 = tpu.memref_slice %arg2[%select_n3A, %dma_wait3A, %min3A_105, %dma_wait3A_121] : memref<16x255x19x19xf32, #tpu.memory_space<hbm>> -> memref<1x255x1x19xf32, #tpu.memory_space<hbm>>
      %dma_wait3A_123 = tpu.memref_squeeze %dma_wait3A_122 : memref<1x255x1x19xf32, #tpu.memory_space<hbm>> -> memref<255x19xf32, #tpu.memory_space<hbm>>
      %dma_wait3A_124 = arith.constant 0 : i32
      %dma_wait3A_125 = arith.constant 0 : i32
      %dma_wait3A_126 = tpu.memref_slice %arg2[%select_n3A, %dma_wait3A_124, %min3A_105, %dma_wait3A_125] : memref<16x255x19x19xf32, #tpu.memory_space<hbm>> -> memref<1x255x1x19xf32, #tpu.memory_space<hbm>>
      %dma_wait3A_127 = tpu.memref_squeeze %dma_wait3A_126 : memref<1x255x1x19xf32, #tpu.memory_space<hbm>> -> memref<255x19xf32, #tpu.memory_space<hbm>>
      tpu.wait_dma2 semaphore(%run_scoped3A : memref<!tpu.dma_semaphore, #tpu.memory_space<semaphore_mem>>) src(%dma_wait3A_127 : memref<255x19xf32, #tpu.memory_space<hbm>>) dst(%arg5 : memref<255x19xf32, #tpu.memory_space<vmem>>)
      tpu.yield
    }) : () -> ()
    %convert_element_type3A = arith.sitofp %min3A_105 : i32 to f32
    %scan3A_106 = arith.constant 0 : i32
    %scan3A_107 = arith.constant 0 : i32
    %scan3A_108 = arith.constant 2 : i32
    %scan3A_109 = arith.addi %scan3A_107, %scan3A_108 : i32
    %scan3A_110 = arith.constant 1 : i32
    scf.for %scan3A_114 = %scan3A_107 to %scan3A_109 step %scan3A_110  : i32 {
      %convert_element_type3A_115 = arith.sitofp %scan3A_114 : i32 to f32
      %broadcast_in_dim3A_116 = vector.broadcast %scan3A_114 : i32 to vector<16xi32>
      %eq3A_117 = arith.constant 0 : i32
      %eq3A_118 = vector.broadcast %eq3A_117 : i32 to vector<16xi32>
      %eq3A_119 = arith.cmpi eq, %iota3A, %eq3A_118 : vector<16xi32>
      %eq3A_120 = arith.constant 1 : i32
      %eq3A_121 = vector.broadcast %eq3A_120 : i32 to vector<16xi32>
      %eq3A_122 = arith.cmpi eq, %iota3A, %eq3A_121 : vector<16xi32>
      %jit3A_123 = arith.constant 0.000000e+00 : f32
      %broadcast_in_dim3A_124 = vector.broadcast %convert_element_type3A : f32 to vector<16xf32>
      %broadcast_in_dim3A_125 = vector.broadcast %jit3A_123 : f32 to vector<16xf32>
      %select_n3A_126 = arith.select %eq3A_122, %broadcast_in_dim3A_124, %broadcast_in_dim3A_125 : vector<16xi1>, vector<16xf32>
      %broadcast_in_dim3A_127 = vector.broadcast %convert_element_type3A_115 : f32 to vector<16xf32>
      %select_n3A_128 = arith.select %eq3A_119, %broadcast_in_dim3A_127, %select_n3A_126 : vector<16xi1>, vector<16xf32>
      %mul3A_129 = arith.constant 3 : i32
      %mul3A_130 = arith.muli %mul3A_129, %scan3A_114 : i32
      %add3A_131 = arith.constant 627 : i32
      %add3A_132 = arith.addi %add3A_131, %mul3A_130 : i32
      %add3A_133 = arith.constant 0 : i32
      %add3A_134 = arith.addi %add3A_132, %add3A_133 : i32
      %add3A_135 = arith.constant 0 : i32
      %add3A_136 = vector.broadcast %add3A_135 : i32 to vector<16xi32>
      %add3A_137 = arith.addi %add3A_136, %iota3A : vector<16xi32>
      %gather3A = tpu.vector_load_idx %arg5[%add3A_137, %broadcast_in_dim3A_116] : memref<255x19xf32, #tpu.memory_space<vmem>>[vector<16xi32>, vector<16xi32>], vector<16xf32>,
      %mul3A_138 = arith.mulf %gather3A, %select_n3A_43 : vector<16xf32>
      %exp3A = math.exp %mul3A_138 : vector<16xf32>
      %add3A_139 = arith.constant 1.000000e+00 : f32
      %add3A_140 = vector.broadcast %add3A_139 : f32 to vector<16xf32>
      %add3A_141 = arith.addf %add3A_140, %exp3A : vector<16xf32>
      %div3A_142 = arith.constant 1.000000e+00 : f32
      %div3A_143 = vector.broadcast %div3A_142 : f32 to vector<16xf32>
      %div3A_144 = arith.divf %div3A_143, %add3A_141 : vector<16xf32>
      %select_n3A_145 = arith.select %or3A, %exp3A, %div3A_144 : vector<16xi1>, vector<16xf32>
      %add3A_146 = arith.addf %select_n3A_145, %select_n3A_128 : vector<16xf32>
      %mul3A_147 = arith.mulf %add3A_146, %select_n3A_61 : vector<16xf32>
      %swap3A = arith.index_cast %add3A_134 : i32 to index
      %swap3A_148 = arith.constant 0 : index
      %swap3A_149 = tpu.vector_load %arg6[%swap3A, %swap3A_148] {strides = array<i32>} : memref<636x85xf32, #tpu.memory_space<vmem>>, vector<16xf32>,
      tpu.vector_store %arg6[%swap3A, %swap3A_148], %mul3A_147 {strides = array<i32>} : memref<636x85xf32, #tpu.memory_space<vmem>>, vector<16xf32>,
      %add3A_150 = arith.constant 16 : i32
      %add3A_151 = vector.broadcast %add3A_150 : i32 to vector<16xi32>
      %add3A_152 = arith.addi %add3A_151, %iota3A : vector<16xi32>
      %gather3A_153 = tpu.vector_load_idx %arg5[%add3A_152, %broadcast_in_dim3A_116] : memref<255x19xf32, #tpu.memory_space<vmem>>[vector<16xi32>, vector<16xi32>], vector<16xf32>,
      %neg3A = arith.constant 0.000000e+00 : f32
      %neg3A_154 = vector.broadcast %neg3A : f32 to vector<16xf32>
      %neg3A_155 = arith.subf %neg3A_154, %gather3A_153 : vector<16xf32>
      %exp3A_156 = math.exp %neg3A_155 : vector<16xf32>
      %add3A_157 = arith.constant 1.000000e+00 : f32
      %add3A_158 = vector.broadcast %add3A_157 : f32 to vector<16xf32>
      %add3A_159 = arith.addf %add3A_158, %exp3A_156 : vector<16xf32>
      %div3A_160 = arith.constant 1.000000e+00 : f32
      %div3A_161 = vector.broadcast %div3A_160 : f32 to vector<16xf32>
      %div3A_162 = arith.divf %div3A_161, %add3A_159 : vector<16xf32>
      %swap3A_163 = arith.index_cast %add3A_134 : i32 to index
      %swap3A_164 = arith.constant 16 : index
      %swap3A_165 = tpu.vector_load %arg6[%swap3A_163, %swap3A_164] {strides = array<i32>} : memref<636x85xf32, #tpu.memory_space<vmem>>, vector<16xf32>,
      tpu.vector_store %arg6[%swap3A_163, %swap3A_164], %div3A_162 {strides = array<i32>} : memref<636x85xf32, #tpu.memory_space<vmem>>, vector<16xf32>,
      %add3A_166 = arith.constant 32 : i32
      %add3A_167 = vector.broadcast %add3A_166 : i32 to vector<16xi32>
      %add3A_168 = arith.addi %add3A_167, %iota3A : vector<16xi32>
      %gather3A_169 = tpu.vector_load_idx %arg5[%add3A_168, %broadcast_in_dim3A_116] : memref<255x19xf32, #tpu.memory_space<vmem>>[vector<16xi32>, vector<16xi32>], vector<16xf32>,
      %neg3A_170 = arith.constant 0.000000e+00 : f32
      %neg3A_171 = vector.broadcast %neg3A_170 : f32 to vector<16xf32>
      %neg3A_172 = arith.subf %neg3A_171, %gather3A_169 : vector<16xf32>
      %exp3A_173 = math.exp %neg3A_172 : vector<16xf32>
      %add3A_174 = arith.constant 1.000000e+00 : f32
      %add3A_175 = vector.broadcast %add3A_174 : f32 to vector<16xf32>
      %add3A_176 = arith.addf %add3A_175, %exp3A_173 : vector<16xf32>
      %div3A_177 = arith.constant 1.000000e+00 : f32
      %div3A_178 = vector.broadcast %div3A_177 : f32 to vector<16xf32>
      %div3A_179 = arith.divf %div3A_178, %add3A_176 : vector<16xf32>
      %swap3A_180 = arith.index_cast %add3A_134 : i32 to index
      %swap3A_181 = arith.constant 32 : index
      %swap3A_182 = tpu.vector_load %arg6[%swap3A_180, %swap3A_181] {strides = array<i32>} : memref<636x85xf32, #tpu.memory_space<vmem>>, vector<16xf32>,
      tpu.vector_store %arg6[%swap3A_180, %swap3A_181], %div3A_179 {strides = array<i32>} : memref<636x85xf32, #tpu.memory_space<vmem>>, vector<16xf32>,
      %add3A_183 = arith.constant 48 : i32
      %add3A_184 = vector.broadcast %add3A_183 : i32 to vector<16xi32>
      %add3A_185 = arith.addi %add3A_184, %iota3A : vector<16xi32>
      %gather3A_186 = tpu.vector_load_idx %arg5[%add3A_185, %broadcast_in_dim3A_116] : memref<255x19xf32, #tpu.memory_space<vmem>>[vector<16xi32>, vector<16xi32>], vector<16xf32>,
      %neg3A_187 = arith.constant 0.000000e+00 : f32
      %neg3A_188 = vector.broadcast %neg3A_187 : f32 to vector<16xf32>
      %neg3A_189 = arith.subf %neg3A_188, %gather3A_186 : vector<16xf32>
      %exp3A_190 = math.exp %neg3A_189 : vector<16xf32>
      %add3A_191 = arith.constant 1.000000e+00 : f32
      %add3A_192 = vector.broadcast %add3A_191 : f32 to vector<16xf32>
      %add3A_193 = arith.addf %add3A_192, %exp3A_190 : vector<16xf32>
      %div3A_194 = arith.constant 1.000000e+00 : f32
      %div3A_195 = vector.broadcast %div3A_194 : f32 to vector<16xf32>
      %div3A_196 = arith.divf %div3A_195, %add3A_193 : vector<16xf32>
      %swap3A_197 = arith.index_cast %add3A_134 : i32 to index
      %swap3A_198 = arith.constant 48 : index
      %swap3A_199 = tpu.vector_load %arg6[%swap3A_197, %swap3A_198] {strides = array<i32>} : memref<636x85xf32, #tpu.memory_space<vmem>>, vector<16xf32>,
      tpu.vector_store %arg6[%swap3A_197, %swap3A_198], %div3A_196 {strides = array<i32>} : memref<636x85xf32, #tpu.memory_space<vmem>>, vector<16xf32>,
      %add3A_200 = arith.constant 64 : i32
      %add3A_201 = vector.broadcast %add3A_200 : i32 to vector<16xi32>
      %add3A_202 = arith.addi %add3A_201, %iota3A : vector<16xi32>
      %gather3A_203 = tpu.vector_load_idx %arg5[%add3A_202, %broadcast_in_dim3A_116] : memref<255x19xf32, #tpu.memory_space<vmem>>[vector<16xi32>, vector<16xi32>], vector<16xf32>,
      %neg3A_204 = arith.constant 0.000000e+00 : f32
      %neg3A_205 = vector.broadcast %neg3A_204 : f32 to vector<16xf32>
      %neg3A_206 = arith.subf %neg3A_205, %gather3A_203 : vector<16xf32>
      %exp3A_207 = math.exp %neg3A_206 : vector<16xf32>
      %add3A_208 = arith.constant 1.000000e+00 : f32
      %add3A_209 = vector.broadcast %add3A_208 : f32 to vector<16xf32>
      %add3A_210 = arith.addf %add3A_209, %exp3A_207 : vector<16xf32>
      %div3A_211 = arith.constant 1.000000e+00 : f32
      %div3A_212 = vector.broadcast %div3A_211 : f32 to vector<16xf32>
      %div3A_213 = arith.divf %div3A_212, %add3A_210 : vector<16xf32>
      %swap3A_214 = arith.index_cast %add3A_134 : i32 to index
      %swap3A_215 = arith.constant 64 : index
      %swap3A_216 = tpu.vector_load %arg6[%swap3A_214, %swap3A_215] {strides = array<i32>} : memref<636x85xf32, #tpu.memory_space<vmem>>, vector<16xf32>,
      tpu.vector_store %arg6[%swap3A_214, %swap3A_215], %div3A_213 {strides = array<i32>} : memref<636x85xf32, #tpu.memory_space<vmem>>, vector<16xf32>,
      %add3A_217 = arith.constant 69 : i32
      %add3A_218 = vector.broadcast %add3A_217 : i32 to vector<16xi32>
      %add3A_219 = arith.addi %add3A_218, %iota3A : vector<16xi32>
      %gather3A_220 = tpu.vector_load_idx %arg5[%add3A_219, %broadcast_in_dim3A_116] : memref<255x19xf32, #tpu.memory_space<vmem>>[vector<16xi32>, vector<16xi32>], vector<16xf32>,
      %neg3A_221 = arith.constant 0.000000e+00 : f32
      %neg3A_222 = vector.broadcast %neg3A_221 : f32 to vector<16xf32>
      %neg3A_223 = arith.subf %neg3A_222, %gather3A_220 : vector<16xf32>
      %exp3A_224 = math.exp %neg3A_223 : vector<16xf32>
      %add3A_225 = arith.constant 1.000000e+00 : f32
      %add3A_226 = vector.broadcast %add3A_225 : f32 to vector<16xf32>
      %add3A_227 = arith.addf %add3A_226, %exp3A_224 : vector<16xf32>
      %div3A_228 = arith.constant 1.000000e+00 : f32
      %div3A_229 = vector.broadcast %div3A_228 : f32 to vector<16xf32>
      %div3A_230 = arith.divf %div3A_229, %add3A_227 : vector<16xf32>
      %swap3A_231 = arith.index_cast %add3A_134 : i32 to index
      %swap3A_232 = arith.constant 69 : index
      %swap3A_233 = tpu.vector_load %arg6[%swap3A_231, %swap3A_232] {strides = array<i32>} : memref<636x85xf32, #tpu.memory_space<vmem>>, vector<16xf32>,
      tpu.vector_store %arg6[%swap3A_231, %swap3A_232], %div3A_230 {strides = array<i32>} : memref<636x85xf32, #tpu.memory_space<vmem>>, vector<16xf32>,
      %mul3A_234 = arith.constant 3 : i32
      %mul3A_235 = arith.muli %mul3A_234, %scan3A_114 : i32
      %add3A_236 = arith.constant 627 : i32
      %add3A_237 = arith.addi %add3A_236, %mul3A_235 : i32
      %add3A_238 = arith.constant 1 : i32
      %add3A_239 = arith.addi %add3A_237, %add3A_238 : i32
      %add3A_240 = arith.constant 85 : i32
      %add3A_241 = vector.broadcast %add3A_240 : i32 to vector<16xi32>
      %add3A_242 = arith.addi %add3A_241, %iota3A : vector<16xi32>
      %gather3A_243 = tpu.vector_load_idx %arg5[%add3A_242, %broadcast_in_dim3A_116] : memref<255x19xf32, #tpu.memory_space<vmem>>[vector<16xi32>, vector<16xi32>], vector<16xf32>,
      %mul3A_244 = arith.mulf %gather3A_243, %select_n3A_43 : vector<16xf32>
      %exp3A_245 = math.exp %mul3A_244 : vector<16xf32>
      %add3A_246 = arith.constant 1.000000e+00 : f32
      %add3A_247 = vector.broadcast %add3A_246 : f32 to vector<16xf32>
      %add3A_248 = arith.addf %add3A_247, %exp3A_245 : vector<16xf32>
      %div3A_249 = arith.constant 1.000000e+00 : f32
      %div3A_250 = vector.broadcast %div3A_249 : f32 to vector<16xf32>
      %div3A_251 = arith.divf %div3A_250, %add3A_248 : vector<16xf32>
      %select_n3A_252 = arith.select %or3A, %exp3A_245, %div3A_251 : vector<16xi1>, vector<16xf32>
      %add3A_253 = arith.addf %select_n3A_252, %select_n3A_128 : vector<16xf32>
      %mul3A_254 = arith.mulf %add3A_253, %select_n3A_79 : vector<16xf32>
      %swap3A_255 = arith.index_cast %add3A_239 : i32 to index
      %swap3A_256 = arith.constant 0 : index
      %swap3A_257 = tpu.vector_load %arg6[%swap3A_255, %swap3A_256] {strides = array<i32>} : memref<636x85xf32, #tpu.memory_space<vmem>>, vector<16xf32>,
      tpu.vector_store %arg6[%swap3A_255, %swap3A_256], %mul3A_254 {strides = array<i32>} : memref<636x85xf32, #tpu.memory_space<vmem>>, vector<16xf32>,
      %add3A_258 = arith.constant 101 : i32
      %add3A_259 = vector.broadcast %add3A_258 : i32 to vector<16xi32>
      %add3A_260 = arith.addi %add3A_259, %iota3A : vector<16xi32>
      %gather3A_261 = tpu.vector_load_idx %arg5[%add3A_260, %broadcast_in_dim3A_116] : memref<255x19xf32, #tpu.memory_space<vmem>>[vector<16xi32>, vector<16xi32>], vector<16xf32>,
      %neg3A_262 = arith.constant 0.000000e+00 : f32
      %neg3A_263 = vector.broadcast %neg3A_262 : f32 to vector<16xf32>
      %neg3A_264 = arith.subf %neg3A_263, %gather3A_261 : vector<16xf32>
      %exp3A_265 = math.exp %neg3A_264 : vector<16xf32>
      %add3A_266 = arith.constant 1.000000e+00 : f32
      %add3A_267 = vector.broadcast %add3A_266 : f32 to vector<16xf32>
      %add3A_268 = arith.addf %add3A_267, %exp3A_265 : vector<16xf32>
      %div3A_269 = arith.constant 1.000000e+00 : f32
      %div3A_270 = vector.broadcast %div3A_269 : f32 to vector<16xf32>
      %div3A_271 = arith.divf %div3A_270, %add3A_268 : vector<16xf32>
      %swap3A_272 = arith.index_cast %add3A_239 : i32 to index
      %swap3A_273 = arith.constant 16 : index
      %swap3A_274 = tpu.vector_load %arg6[%swap3A_272, %swap3A_273] {strides = array<i32>} : memref<636x85xf32, #tpu.memory_space<vmem>>, vector<16xf32>,
      tpu.vector_store %arg6[%swap3A_272, %swap3A_273], %div3A_271 {strides = array<i32>} : memref<636x85xf32, #tpu.memory_space<vmem>>, vector<16xf32>,
      %add3A_275 = arith.constant 117 : i32
      %add3A_276 = vector.broadcast %add3A_275 : i32 to vector<16xi32>
      %add3A_277 = arith.addi %add3A_276, %iota3A : vector<16xi32>
      %gather3A_278 = tpu.vector_load_idx %arg5[%add3A_277, %broadcast_in_dim3A_116] : memref<255x19xf32, #tpu.memory_space<vmem>>[vector<16xi32>, vector<16xi32>], vector<16xf32>,
      %neg3A_279 = arith.constant 0.000000e+00 : f32
      %neg3A_280 = vector.broadcast %neg3A_279 : f32 to vector<16xf32>
      %neg3A_281 = arith.subf %neg3A_280, %gather3A_278 : vector<16xf32>
      %exp3A_282 = math.exp %neg3A_281 : vector<16xf32>
      %add3A_283 = arith.constant 1.000000e+00 : f32
      %add3A_284 = vector.broadcast %add3A_283 : f32 to vector<16xf32>
      %add3A_285 = arith.addf %add3A_284, %exp3A_282 : vector<16xf32>
      %div3A_286 = arith.constant 1.000000e+00 : f32
      %div3A_287 = vector.broadcast %div3A_286 : f32 to vector<16xf32>
      %div3A_288 = arith.divf %div3A_287, %add3A_285 : vector<16xf32>
      %swap3A_289 = arith.index_cast %add3A_239 : i32 to index
      %swap3A_290 = arith.constant 32 : index
      %swap3A_291 = tpu.vector_load %arg6[%swap3A_289, %swap3A_290] {strides = array<i32>} : memref<636x85xf32, #tpu.memory_space<vmem>>, vector<16xf32>,
      tpu.vector_store %arg6[%swap3A_289, %swap3A_290], %div3A_288 {strides = array<i32>} : memref<636x85xf32, #tpu.memory_space<vmem>>, vector<16xf32>,
      %add3A_292 = arith.constant 133 : i32
      %add3A_293 = vector.broadcast %add3A_292 : i32 to vector<16xi32>
      %add3A_294 = arith.addi %add3A_293, %iota3A : vector<16xi32>
      %gather3A_295 = tpu.vector_load_idx %arg5[%add3A_294, %broadcast_in_dim3A_116] : memref<255x19xf32, #tpu.memory_space<vmem>>[vector<16xi32>, vector<16xi32>], vector<16xf32>,
      %neg3A_296 = arith.constant 0.000000e+00 : f32
      %neg3A_297 = vector.broadcast %neg3A_296 : f32 to vector<16xf32>
      %neg3A_298 = arith.subf %neg3A_297, %gather3A_295 : vector<16xf32>
      %exp3A_299 = math.exp %neg3A_298 : vector<16xf32>
      %add3A_300 = arith.constant 1.000000e+00 : f32
      %add3A_301 = vector.broadcast %add3A_300 : f32 to vector<16xf32>
      %add3A_302 = arith.addf %add3A_301, %exp3A_299 : vector<16xf32>
      %div3A_303 = arith.constant 1.000000e+00 : f32
      %div3A_304 = vector.broadcast %div3A_303 : f32 to vector<16xf32>
      %div3A_305 = arith.divf %div3A_304, %add3A_302 : vector<16xf32>
      %swap3A_306 = arith.index_cast %add3A_239 : i32 to index
      %swap3A_307 = arith.constant 48 : index
      %swap3A_308 = tpu.vector_load %arg6[%swap3A_306, %swap3A_307] {strides = array<i32>} : memref<636x85xf32, #tpu.memory_space<vmem>>, vector<16xf32>,
      tpu.vector_store %arg6[%swap3A_306, %swap3A_307], %div3A_305 {strides = array<i32>} : memref<636x85xf32, #tpu.memory_space<vmem>>, vector<16xf32>,
      %add3A_309 = arith.constant 149 : i32
      %add3A_310 = vector.broadcast %add3A_309 : i32 to vector<16xi32>
      %add3A_311 = arith.addi %add3A_310, %iota3A : vector<16xi32>
      %gather3A_312 = tpu.vector_load_idx %arg5[%add3A_311, %broadcast_in_dim3A_116] : memref<255x19xf32, #tpu.memory_space<vmem>>[vector<16xi32>, vector<16xi32>], vector<16xf32>,
      %neg3A_313 = arith.constant 0.000000e+00 : f32
      %neg3A_314 = vector.broadcast %neg3A_313 : f32 to vector<16xf32>
      %neg3A_315 = arith.subf %neg3A_314, %gather3A_312 : vector<16xf32>
      %exp3A_316 = math.exp %neg3A_315 : vector<16xf32>
      %add3A_317 = arith.constant 1.000000e+00 : f32
      %add3A_318 = vector.broadcast %add3A_317 : f32 to vector<16xf32>
      %add3A_319 = arith.addf %add3A_318, %exp3A_316 : vector<16xf32>
      %div3A_320 = arith.constant 1.000000e+00 : f32
      %div3A_321 = vector.broadcast %div3A_320 : f32 to vector<16xf32>
      %div3A_322 = arith.divf %div3A_321, %add3A_319 : vector<16xf32>
      %swap3A_323 = arith.index_cast %add3A_239 : i32 to index
      %swap3A_324 = arith.constant 64 : index
      %swap3A_325 = tpu.vector_load %arg6[%swap3A_323, %swap3A_324] {strides = array<i32>} : memref<636x85xf32, #tpu.memory_space<vmem>>, vector<16xf32>,
      tpu.vector_store %arg6[%swap3A_323, %swap3A_324], %div3A_322 {strides = array<i32>} : memref<636x85xf32, #tpu.memory_space<vmem>>, vector<16xf32>,
      %add3A_326 = arith.constant 154 : i32
      %add3A_327 = vector.broadcast %add3A_326 : i32 to vector<16xi32>
      %add3A_328 = arith.addi %add3A_327, %iota3A : vector<16xi32>
      %gather3A_329 = tpu.vector_load_idx %arg5[%add3A_328, %broadcast_in_dim3A_116] : memref<255x19xf32, #tpu.memory_space<vmem>>[vector<16xi32>, vector<16xi32>], vector<16xf32>,
      %neg3A_330 = arith.constant 0.000000e+00 : f32
      %neg3A_331 = vector.broadcast %neg3A_330 : f32 to vector<16xf32>
      %neg3A_332 = arith.subf %neg3A_331, %gather3A_329 : vector<16xf32>
      %exp3A_333 = math.exp %neg3A_332 : vector<16xf32>
      %add3A_334 = arith.constant 1.000000e+00 : f32
      %add3A_335 = vector.broadcast %add3A_334 : f32 to vector<16xf32>
      %add3A_336 = arith.addf %add3A_335, %exp3A_333 : vector<16xf32>
      %div3A_337 = arith.constant 1.000000e+00 : f32
      %div3A_338 = vector.broadcast %div3A_337 : f32 to vector<16xf32>
      %div3A_339 = arith.divf %div3A_338, %add3A_336 : vector<16xf32>
      %swap3A_340 = arith.index_cast %add3A_239 : i32 to index
      %swap3A_341 = arith.constant 69 : index
      %swap3A_342 = tpu.vector_load %arg6[%swap3A_340, %swap3A_341] {strides = array<i32>} : memref<636x85xf32, #tpu.memory_space<vmem>>, vector<16xf32>,
      tpu.vector_store %arg6[%swap3A_340, %swap3A_341], %div3A_339 {strides = array<i32>} : memref<636x85xf32, #tpu.memory_space<vmem>>, vector<16xf32>,
      %mul3A_343 = arith.constant 3 : i32
      %mul3A_344 = arith.muli %mul3A_343, %scan3A_114 : i32
      %add3A_345 = arith.constant 627 : i32
      %add3A_346 = arith.addi %add3A_345, %mul3A_344 : i32
      %add3A_347 = arith.constant 2 : i32
      %add3A_348 = arith.addi %add3A_346, %add3A_347 : i32
      %add3A_349 = arith.constant 170 : i32
      %add3A_350 = vector.broadcast %add3A_349 : i32 to vector<16xi32>
      %add3A_351 = arith.addi %add3A_350, %iota3A : vector<16xi32>
      %gather3A_352 = tpu.vector_load_idx %arg5[%add3A_351, %broadcast_in_dim3A_116] : memref<255x19xf32, #tpu.memory_space<vmem>>[vector<16xi32>, vector<16xi32>], vector<16xf32>,
      %mul3A_353 = arith.mulf %gather3A_352, %select_n3A_43 : vector<16xf32>
      %exp3A_354 = math.exp %mul3A_353 : vector<16xf32>
      %add3A_355 = arith.constant 1.000000e+00 : f32
      %add3A_356 = vector.broadcast %add3A_355 : f32 to vector<16xf32>
      %add3A_357 = arith.addf %add3A_356, %exp3A_354 : vector<16xf32>
      %div3A_358 = arith.constant 1.000000e+00 : f32
      %div3A_359 = vector.broadcast %div3A_358 : f32 to vector<16xf32>
      %div3A_360 = arith.divf %div3A_359, %add3A_357 : vector<16xf32>
      %select_n3A_361 = arith.select %or3A, %exp3A_354, %div3A_360 : vector<16xi1>, vector<16xf32>
      %add3A_362 = arith.addf %select_n3A_361, %select_n3A_128 : vector<16xf32>
      %mul3A_363 = arith.mulf %add3A_362, %select_n3A_97 : vector<16xf32>
      %swap3A_364 = arith.index_cast %add3A_348 : i32 to index
      %swap3A_365 = arith.constant 0 : index
      %swap3A_366 = tpu.vector_load %arg6[%swap3A_364, %swap3A_365] {strides = array<i32>} : memref<636x85xf32, #tpu.memory_space<vmem>>, vector<16xf32>,
      tpu.vector_store %arg6[%swap3A_364, %swap3A_365], %mul3A_363 {strides = array<i32>} : memref<636x85xf32, #tpu.memory_space<vmem>>, vector<16xf32>,
      %add3A_367 = arith.constant 186 : i32
      %add3A_368 = vector.broadcast %add3A_367 : i32 to vector<16xi32>
      %add3A_369 = arith.addi %add3A_368, %iota3A : vector<16xi32>
      %gather3A_370 = tpu.vector_load_idx %arg5[%add3A_369, %broadcast_in_dim3A_116] : memref<255x19xf32, #tpu.memory_space<vmem>>[vector<16xi32>, vector<16xi32>], vector<16xf32>,
      %neg3A_371 = arith.constant 0.000000e+00 : f32
      %neg3A_372 = vector.broadcast %neg3A_371 : f32 to vector<16xf32>
      %neg3A_373 = arith.subf %neg3A_372, %gather3A_370 : vector<16xf32>
      %exp3A_374 = math.exp %neg3A_373 : vector<16xf32>
      %add3A_375 = arith.constant 1.000000e+00 : f32
      %add3A_376 = vector.broadcast %add3A_375 : f32 to vector<16xf32>
      %add3A_377 = arith.addf %add3A_376, %exp3A_374 : vector<16xf32>
      %div3A_378 = arith.constant 1.000000e+00 : f32
      %div3A_379 = vector.broadcast %div3A_378 : f32 to vector<16xf32>
      %div3A_380 = arith.divf %div3A_379, %add3A_377 : vector<16xf32>
      %swap3A_381 = arith.index_cast %add3A_348 : i32 to index
      %swap3A_382 = arith.constant 16 : index
      %swap3A_383 = tpu.vector_load %arg6[%swap3A_381, %swap3A_382] {strides = array<i32>} : memref<636x85xf32, #tpu.memory_space<vmem>>, vector<16xf32>,
      tpu.vector_store %arg6[%swap3A_381, %swap3A_382], %div3A_380 {strides = array<i32>} : memref<636x85xf32, #tpu.memory_space<vmem>>, vector<16xf32>,
      %add3A_384 = arith.constant 202 : i32
      %add3A_385 = vector.broadcast %add3A_384 : i32 to vector<16xi32>
      %add3A_386 = arith.addi %add3A_385, %iota3A : vector<16xi32>
      %gather3A_387 = tpu.vector_load_idx %arg5[%add3A_386, %broadcast_in_dim3A_116] : memref<255x19xf32, #tpu.memory_space<vmem>>[vector<16xi32>, vector<16xi32>], vector<16xf32>,
      %neg3A_388 = arith.constant 0.000000e+00 : f32
      %neg3A_389 = vector.broadcast %neg3A_388 : f32 to vector<16xf32>
      %neg3A_390 = arith.subf %neg3A_389, %gather3A_387 : vector<16xf32>
      %exp3A_391 = math.exp %neg3A_390 : vector<16xf32>
      %add3A_392 = arith.constant 1.000000e+00 : f32
      %add3A_393 = vector.broadcast %add3A_392 : f32 to vector<16xf32>
      %add3A_394 = arith.addf %add3A_393, %exp3A_391 : vector<16xf32>
      %div3A_395 = arith.constant 1.000000e+00 : f32
      %div3A_396 = vector.broadcast %div3A_395 : f32 to vector<16xf32>
      %div3A_397 = arith.divf %div3A_396, %add3A_394 : vector<16xf32>
      %swap3A_398 = arith.index_cast %add3A_348 : i32 to index
      %swap3A_399 = arith.constant 32 : index
      %swap3A_400 = tpu.vector_load %arg6[%swap3A_398, %swap3A_399] {strides = array<i32>} : memref<636x85xf32, #tpu.memory_space<vmem>>, vector<16xf32>,
      tpu.vector_store %arg6[%swap3A_398, %swap3A_399], %div3A_397 {strides = array<i32>} : memref<636x85xf32, #tpu.memory_space<vmem>>, vector<16xf32>,
      %add3A_401 = arith.constant 218 : i32
      %add3A_402 = vector.broadcast %add3A_401 : i32 to vector<16xi32>
      %add3A_403 = arith.addi %add3A_402, %iota3A : vector<16xi32>
      %gather3A_404 = tpu.vector_load_idx %arg5[%add3A_403, %broadcast_in_dim3A_116] : memref<255x19xf32, #tpu.memory_space<vmem>>[vector<16xi32>, vector<16xi32>], vector<16xf32>,
      %neg3A_405 = arith.constant 0.000000e+00 : f32
      %neg3A_406 = vector.broadcast %neg3A_405 : f32 to vector<16xf32>
      %neg3A_407 = arith.subf %neg3A_406, %gather3A_404 : vector<16xf32>
      %exp3A_408 = math.exp %neg3A_407 : vector<16xf32>
      %add3A_409 = arith.constant 1.000000e+00 : f32
      %add3A_410 = vector.broadcast %add3A_409 : f32 to vector<16xf32>
      %add3A_411 = arith.addf %add3A_410, %exp3A_408 : vector<16xf32>
      %div3A_412 = arith.constant 1.000000e+00 : f32
      %div3A_413 = vector.broadcast %div3A_412 : f32 to vector<16xf32>
      %div3A_414 = arith.divf %div3A_413, %add3A_411 : vector<16xf32>
      %swap3A_415 = arith.index_cast %add3A_348 : i32 to index
      %swap3A_416 = arith.constant 48 : index
      %swap3A_417 = tpu.vector_load %arg6[%swap3A_415, %swap3A_416] {strides = array<i32>} : memref<636x85xf32, #tpu.memory_space<vmem>>, vector<16xf32>,
      tpu.vector_store %arg6[%swap3A_415, %swap3A_416], %div3A_414 {strides = array<i32>} : memref<636x85xf32, #tpu.memory_space<vmem>>, vector<16xf32>,
      %add3A_418 = arith.constant 234 : i32
      %add3A_419 = vector.broadcast %add3A_418 : i32 to vector<16xi32>
      %add3A_420 = arith.addi %add3A_419, %iota3A : vector<16xi32>
      %gather3A_421 = tpu.vector_load_idx %arg5[%add3A_420, %broadcast_in_dim3A_116] : memref<255x19xf32, #tpu.memory_space<vmem>>[vector<16xi32>, vector<16xi32>], vector<16xf32>,
      %neg3A_422 = arith.constant 0.000000e+00 : f32
      %neg3A_423 = vector.broadcast %neg3A_422 : f32 to vector<16xf32>
      %neg3A_424 = arith.subf %neg3A_423, %gather3A_421 : vector<16xf32>
      %exp3A_425 = math.exp %neg3A_424 : vector<16xf32>
      %add3A_426 = arith.constant 1.000000e+00 : f32
      %add3A_427 = vector.broadcast %add3A_426 : f32 to vector<16xf32>
      %add3A_428 = arith.addf %add3A_427, %exp3A_425 : vector<16xf32>
      %div3A_429 = arith.constant 1.000000e+00 : f32
      %div3A_430 = vector.broadcast %div3A_429 : f32 to vector<16xf32>
      %div3A_431 = arith.divf %div3A_430, %add3A_428 : vector<16xf32>
      %swap3A_432 = arith.index_cast %add3A_348 : i32 to index
      %swap3A_433 = arith.constant 64 : index
      %swap3A_434 = tpu.vector_load %arg6[%swap3A_432, %swap3A_433] {strides = array<i32>} : memref<636x85xf32, #tpu.memory_space<vmem>>, vector<16xf32>,
      tpu.vector_store %arg6[%swap3A_432, %swap3A_433], %div3A_431 {strides = array<i32>} : memref<636x85xf32, #tpu.memory_space<vmem>>, vector<16xf32>,
      %add3A_435 = arith.constant 239 : i32
      %add3A_436 = vector.broadcast %add3A_435 : i32 to vector<16xi32>
      %add3A_437 = arith.addi %add3A_436, %iota3A : vector<16xi32>
      %gather3A_438 = tpu.vector_load_idx %arg5[%add3A_437, %broadcast_in_dim3A_116] : memref<255x19xf32, #tpu.memory_space<vmem>>[vector<16xi32>, vector<16xi32>], vector<16xf32>,
      %neg3A_439 = arith.constant 0.000000e+00 : f32
      %neg3A_440 = vector.broadcast %neg3A_439 : f32 to vector<16xf32>
      %neg3A_441 = arith.subf %neg3A_440, %gather3A_438 : vector<16xf32>
      %exp3A_442 = math.exp %neg3A_441 : vector<16xf32>
      %add3A_443 = arith.constant 1.000000e+00 : f32
      %add3A_444 = vector.broadcast %add3A_443 : f32 to vector<16xf32>
      %add3A_445 = arith.addf %add3A_444, %exp3A_442 : vector<16xf32>
      %div3A_446 = arith.constant 1.000000e+00 : f32
      %div3A_447 = vector.broadcast %div3A_446 : f32 to vector<16xf32>
      %div3A_448 = arith.divf %div3A_447, %add3A_445 : vector<16xf32>
      %swap3A_449 = arith.index_cast %add3A_348 : i32 to index
      %swap3A_450 = arith.constant 69 : index
      %swap3A_451 = tpu.vector_load %arg6[%swap3A_449, %swap3A_450] {strides = array<i32>} : memref<636x85xf32, #tpu.memory_space<vmem>>, vector<16xf32>,
      tpu.vector_store %arg6[%swap3A_449, %swap3A_450], %div3A_448 {strides = array<i32>} : memref<636x85xf32, #tpu.memory_space<vmem>>, vector<16xf32>,
    }
    %scan3A_111 = arith.constant 2 : i32
    %mul3A_112 = arith.constant 456 : i32
    %mul3A_113 = arith.muli %select_n3A_30, %mul3A_112 : i32
    "tpu.region"() ({
      %run_scoped3A = tpu.sem_alloc : memref<!tpu.dma_semaphore, #tpu.memory_space<semaphore_mem>>
      %dma_start3A = arith.constant 0 : i32
      %dma_start3A_114 = arith.constant 0 : i32
      %dma_start3A_115 = tpu.memref_slice %arg6[%dma_start3A, %dma_start3A_114] : memref<636x85xf32, #tpu.memory_space<vmem>> -> memref<632x85xf32, #tpu.memory_space<vmem>>
      %dma_start3A_116 = arith.constant 0 : i32
      %dma_start3A_117 = tpu.memref_slice %arg4[%select_n3A, %mul3A_113, %dma_start3A_116] : memref<16x1083x85xf32, #tpu.memory_space<hbm>> -> memref<1x632x85xf32, #tpu.memory_space<hbm>>
      %dma_start3A_118 = tpu.memref_squeeze %dma_start3A_117 : memref<1x632x85xf32, #tpu.memory_space<hbm>> -> memref<632x85xf32, #tpu.memory_space<hbm>>
      %dma_start3A_119 = arith.constant 0 : i32
      %dma_start3A_120 = tpu.memref_slice %arg4[%select_n3A, %mul3A_113, %dma_start3A_119] : memref<16x1083x85xf32, #tpu.memory_space<hbm>> -> memref<1x632x85xf32, #tpu.memory_space<hbm>>
      %dma_start3A_121 = tpu.memref_squeeze %dma_start3A_120 : memref<1x632x85xf32, #tpu.memory_space<hbm>> -> memref<632x85xf32, #tpu.memory_space<hbm>>
      %dma_start3A_122 = arith.constant 0 : i32
      %dma_start3A_123 = arith.constant 0 : i32
      %dma_start3A_124 = tpu.memref_slice %arg6[%dma_start3A_122, %dma_start3A_123] : memref<636x85xf32, #tpu.memory_space<vmem>> -> memref<632x85xf32, #tpu.memory_space<vmem>>
      tpu.enqueue_dma source(%dma_start3A_124 : memref<632x85xf32, #tpu.memory_space<vmem>>) target(%dma_start3A_121 : memref<632x85xf32, #tpu.memory_space<hbm>>) target_semaphore(%run_scoped3A : memref<!tpu.dma_semaphore, #tpu.memory_space<semaphore_mem>>)
      %dma_wait3A = arith.constant 0 : i32
      %dma_wait3A_125 = arith.constant 0 : i32
      %dma_wait3A_126 = tpu.memref_slice %arg6[%dma_wait3A, %dma_wait3A_125] : memref<636x85xf32, #tpu.memory_space<vmem>> -> memref<632x85xf32, #tpu.memory_space<vmem>>
      %dma_wait3A_127 = arith.constant 0 : i32
      %dma_wait3A_128 = tpu.memref_slice %arg4[%select_n3A, %mul3A_113, %dma_wait3A_127] : memref<16x1083x85xf32, #tpu.memory_space<hbm>> -> memref<1x632x85xf32, #tpu.memory_space<hbm>>
      %dma_wait3A_129 = tpu.memref_squeeze %dma_wait3A_128 : memref<1x632x85xf32, #tpu.memory_space<hbm>> -> memref<632x85xf32, #tpu.memory_space<hbm>>
      %dma_wait3A_130 = arith.constant 0 : i32
      %dma_wait3A_131 = tpu.memref_slice %arg4[%select_n3A, %mul3A_113, %dma_wait3A_130] : memref<16x1083x85xf32, #tpu.memory_space<hbm>> -> memref<1x632x85xf32, #tpu.memory_space<hbm>>
      %dma_wait3A_132 = tpu.memref_squeeze %dma_wait3A_131 : memref<1x632x85xf32, #tpu.memory_space<hbm>> -> memref<632x85xf32, #tpu.memory_space<hbm>>
      %dma_wait3A_133 = arith.constant 0 : i32
      %dma_wait3A_134 = arith.constant 0 : i32
      %dma_wait3A_135 = tpu.memref_slice %arg6[%dma_wait3A_133, %dma_wait3A_134] : memref<636x85xf32, #tpu.memory_space<vmem>> -> memref<632x85xf32, #tpu.memory_space<vmem>>
      tpu.wait_dma2 semaphore(%run_scoped3A : memref<!tpu.dma_semaphore, #tpu.memory_space<semaphore_mem>>) src(%dma_wait3A_135 : memref<632x85xf32, #tpu.memory_space<vmem>>) dst(%dma_wait3A_132 : memref<632x85xf32, #tpu.memory_space<hbm>>)
      tpu.yield
    }) : () -> ()
    return
  }
}

</mosaic_0001>

<sc_bundles>
// kernel: kernel.3.cloned.1.call-start
scs
__scs_entry_jumppad:
0x0: {  	(pc) =	sbr.rel $0x88, $3  }
0x1: {  	(tag) =	ssettag $0x0;
	lr =	simm.s32 $0x1  }
0x2: {  	[smem:$0x3F9F] =	sst lr;
	_ =	strace $0xD0000000  }
0x3: {  	_ = 	snop  }
0x4: {  	_ = 	snop  }
0x5: {  	_ = 	snop  }
0x6: {  	_ = 	snop  }
0x7: {  	_ = 	snop  }
__scs_overlays_trampoline_lowered:
0x8: {  	[smem:$0x3FAE] =	sst s0  }
0x9: {  	[smem:$0x3FAF] =	sst s1  }
0xa: {  	[smem:$0x3FB0] =	sst s2  }
0xb: {  	[smem:$0x3FB1] =	sst s3  }
0xc: {  	[smem:$0x3FB2] =	sst s4  }
0xd: {  	[smem:$0x3FB3] =	sst s5  }
0xe: {  	[smem:$0x3FB4] =	sst s6  }
0xf: {  	[smem:$0x3FB5] =	sst s7  }
0x10: {  	[smem:$0x3FB6] =	sst s8  }
0x11: {  	[smem:$0x3FB7] =	sst s9;
	s0 =	simm.s32 @!p0 $0x0  }
0x12: {  	s1 =	sld [smem:$0x3F9D];
	s0 =	simm.s32 @p0 $0x1  }
0x13: {  	[smem:$0x3FB8] =	sst s0;
	s0 =	simm.s32 @!p1 $0x0  }
0x14: {  	s2 =	sld [smem:$0x3F9C];
	s0 =	simm.s32 @p1 $0x1  }
0x15: {  	[smem:$0x3FB9] =	sst s0;
	s0 =	simm.s32 @!p2 $0x0  }
0x16: {  	s3 =	sld [smem:$0x3FDB];
	s0 =	simm.s32 @p2 $0x1  }
0x17: {  	s4 =	simm.s32 $0x1BF5;
	[smem:$0x3FBB] =	sst s0  }
0x18: {  	s0 =	sld [smem:$0x3F9E];
	_ =	swait.ge [sflag:s4], $0x0  }
0x19: {  	s7 =	sld [smem:$0x3F9F]  }
0x1a: {  	s8 =	sadd.s32 $0xFFFFE003, lr  }
0x1b: {  	s9 =	sadd.s32 $0xFFFFFEF7, lr;
	s5 =	simm.s32 $0xFFFFFFFF;
	p2 =	slt.u32 s8, $0xFFFFF086  }
0x1c: {  	p1 =	slt.u32 s9, $0xF7A;
	s5 =	simm.s32 @!p2 $0x0  }
0x1d: {  	s5 =	simm.s32 @p1 $0x1;
	p0 =	seq.s32 s7, s2  }
0x1e: {  	s7 =	smul.u32 @!p0 $0xF7A, s2;
	p2 =	seq.s32 @!p0 s5, $0x0  }
0x1f: {  	s9 =	smul.u32 $0xF7A, s1;
	s8 =	simm.s32 @!p0 $0x1BF5;
	p2 =	por !p2, p0  }
0x20: {  	[sflag:s8] =	ssyncset.s32 @!p0 $0xFFFFF086;
	s6 =	sadd.s32 @!p0 s3, s7;
	s7 =	simm.s32 @!p0 $0x108  }
0x21: {  	s3 =	sadd.s32 s3, s9;
	s6 =	sadd.s32 @!p0 $0x88, s6;
	s7 =	simm.s32 @p2 $0x1082  }
0x22: {  	[simem:s7], [sflag:s8] =	dma.local @!p0 [hbm:s6], $0xF7A  }
0x23: {  	s9 =	sor.u32 $0xD0000000, s2;
	s6 =	simm.s32 $0x108;
	_ =	swait.ge @!p0 [sflag:s8], $0x0  }
0x24: {  	s3 =	sadd.s32 $0x88, s3;
	s6 =	simm.s32 @!p1 $0x1082;
	[sflag:s4] =	ssyncset.s32 $0xFFFFF086  }
0x25: {  	[simem:s6], [sflag:s4] =	dma.local [hbm:s3], $0xF7A  }
0x26: {  	[smem:$0x3F9F] =	sst s1;
	(tag) =	ssettag s2;
	_ =	strace s9  }
0x27: {  	s1 =	sld [smem:$0x3FAF]  }
0x28: {  	s2 =	sld [smem:$0x3FB0]  }
0x29: {  	s4 =	sld [smem:$0x3FB2]  }
0x2a: {  	p0 =	seq.s32 s5, $0x0;
	s5 =	sld [smem:$0x3FB3]  }
0x2b: {  	s6 =	sld [smem:$0x3FB4]  }
0x2c: {  	s7 =	sld [smem:$0x3FB5]  }
0x2d: {  	s3 =	simm.s32 $0x108;
	s8 =	sld [smem:$0x3FB6]  }
0x2e: {  	s3 =	simm.s32 @!p0 $0x1082;
	s9 =	sld [smem:$0x3FB7]  }
0x2f: {  	lr =	sadd.s32 s0, s3;
	s0 =	sld [smem:$0x3FAE]  }
0x30: {  	s3 =	sld [smem:$0x3FB1]  }
0x31: {  	[smem:$0x3FBA] =	sst s10  }
0x32: {  	s10 =	sld [smem:$0x3FB8];
	_ =	sdelay $0x3  }
0x33: {  	p0 =	seq.s32 s10, $0x1;
	s10 =	sld [smem:$0x3FBA];
	_ =	sdelay $0x3  }
0x34: {  	[smem:$0x3FBA] =	sst s10  }
0x35: {  	s10 =	sld [smem:$0x3FB9];
	_ =	sdelay $0x3  }
0x36: {  	p1 =	seq.s32 s10, $0x1;
	s10 =	sld [smem:$0x3FBA];
	_ =	sdelay $0x3  }
0x37: {  	[smem:$0x3FBA] =	sst s10  }
0x38: {  	s10 =	sld [smem:$0x3FBB]  }
0x39: {  	_ = 	snop;
	(pc) =	sbr.ind lr, $3  }
0x3a: {  	_ = 	snop  }
0x3b: {  	_ = 	snop  }
0x3c: {  	p2 =	seq.s32 s10, $0x1;
	s10 =	sld [smem:$0x3FBA]  }
0x3d: {  	_ =	shalt  }
0x3e: {  	_ =	shalt  }
0x3f: {  	_ =	shalt  }
0x40: {  	_ =	shalt  }
0x41: {  	_ =	shalt  }
0x42: {  	_ =	shalt  }
0x43: {  	_ =	shalt  }
0x44: {  	_ =	shalt  }
0x45: {  	_ =	shalt  }
0x46: {  	_ =	shalt  }
0x47: {  	_ =	shalt  }
0x48: {  	_ =	shalt  }
0x49: {  	_ =	shalt  }
0x4a: {  	_ =	shalt  }
0x4b: {  	_ =	shalt  }
0x4c: {  	_ =	shalt  }
0x4d: {  	_ =	shalt  }
0x4e: {  	_ =	shalt  }
0x4f: {  	_ =	shalt  }
0x50: {  	_ =	shalt  }
0x51: {  	_ =	shalt  }
0x52: {  	_ =	shalt  }
0x53: {  	_ =	shalt  }
0x54: {  	_ =	shalt  }
0x55: {  	_ =	shalt  }
0x56: {  	_ =	shalt  }
0x57: {  	_ =	shalt  }
0x58: {  	_ =	shalt  }
0x59: {  	_ =	shalt  }
0x5a: {  	_ =	shalt  }
0x5b: {  	_ =	shalt  }
0x5c: {  	_ =	shalt  }
0x5d: {  	_ =	shalt  }
0x5e: {  	_ =	shalt  }
0x5f: {  	_ =	shalt  }
0x60: {  	_ =	shalt  }
0x61: {  	_ =	shalt  }
0x62: {  	_ =	shalt  }
0x63: {  	_ =	shalt  }
0x64: {  	_ =	shalt  }
0x65: {  	_ =	shalt  }
0x66: {  	_ =	shalt  }
0x67: {  	_ =	shalt  }
0x68: {  	_ =	shalt  }
0x69: {  	_ =	shalt  }
0x6a: {  	_ =	shalt  }
0x6b: {  	_ =	shalt  }
0x6c: {  	_ =	shalt  }
0x6d: {  	_ =	shalt  }
0x6e: {  	_ =	shalt  }
0x6f: {  	_ =	shalt  }
0x70: {  	_ =	shalt  }
0x71: {  	_ =	shalt  }
0x72: {  	_ =	shalt  }
0x73: {  	_ =	shalt  }
0x74: {  	_ =	shalt  }
0x75: {  	_ =	shalt  }
0x76: {  	_ =	shalt  }
0x77: {  	_ =	shalt  }
0x78: {  	_ =	shalt  }
0x79: {  	_ =	shalt  }
0x7a: {  	_ =	shalt  }
0x7b: {  	_ =	shalt  }
0x7c: {  	_ =	shalt  }
0x7d: {  	_ =	shalt  }
0x7e: {  	_ =	shalt  }
0x7f: {  	_ =	shalt  }
0x80: {  	_ =	shalt  }
0x81: {  	_ =	shalt  }
0x82: {  	_ =	shalt  }
0x83: {  	_ =	shalt  }
0x84: {  	_ =	shalt  }
0x85: {  	_ =	shalt  }
0x86: {  	_ =	shalt  }
0x87: {  	_ =	shalt  }
.Lfunc_end0:
.L_simem_size_0:
called_computation_lowered:
.L_overlay_start_0:
0x88: {  	s2 =	sld [smem:$0x3FD9]  }
0x89: {  	s3 =	sld [smem:$0x3FFE];
	_ =	sdelay $0x1  }
0x8a: {  	s1 =	srdreg.scid  }
0x8b: {  	s0 =	sand.u32 $0x1, s1  }
0x8c: {  	s17 =	sshll.u32 s0, $0xA;
	s2 =	sadd.s32 s3, s2  }
0x8d: {  	s2 =	sadd.s32 s2, s17  }
0x8e: {  	[smem:$0x3FC6] =	sst s2  }
0x8f: {  	_ = 	snop  }
0x90: {  	s2 =	sld [smem:$0x3FD0];
	(tm) =	ssettm $0x1  }
0x91: {  	s18 =	sld [smem:$0x3FFB];
	_ =	sdelay $0x3  }
0x92: {  	_ =	strace s18  }
0x93: {  	s3 =	sld [smem:$0x3FFC];
	_ =	sdelay $0x3  }
0x94: {  	_ =	strace s3  }
0x95: {  	s3 =	sld [smem:$0x3FFD];
	_ =	sdelay $0x3  }
0x96: {  	_ =	strace s3  }
0x97: {  	_ =	strace $0x8FFFFFFF  }
0x98: {  	s19 =	sld [smem:$0x3FDB];
	_ =	sdelay $0x1  }
0x99: {  	s4 =	simm.s32 $_scs_section_size  }
0x9a: {  	s5 =	simm.s32 $_size__tile_overlayer_lowered;
	s6 =	simm.s32 $_tile_overlayer_lowered  }
0x9b: {  	s22 =	simm.s32 $0x1BFF;
	s21 =	sshll.u32 s6, $0x1;
	s3 =	sadd.s32 s4, s19  }
0x9c: {  	s7 =	simm.s32 $0x0;
	s20 =	sshll.u32 s5, $0x1;
	s5 =	sadd.s32 s21, s3  }
0x9d: {  	[timem:s7], [sflag:s22] =	dma.local [hbm:s5], s20  }
0x9e: {  	_ =	swait.ge [sflag:s22], s20  }
0x9f: {  	s4 =	ssub.s32 $0x0, s20;
	[sflag:s22] =	ssyncset.done $0x0  }
0xa0: {  	[sflag:s22] =	ssyncadd.s32 s4;
	_ =	sdelay $0x1  }
0xa1: {  	s23 =	simm.s32 $0x1B8B  }
0xa2: {  	_ =	swait.ge [sflag:s23], $0x1  }
0xa3: {  	[sflag:s23] =	ssyncset.done $0x0  }
0xa4: {  	s25 =	simm.s32 $0x1B8E;
	s24 =	sld [smem:$0x3FFE];
	[sflag:s23] =	ssyncadd.s32 $0xFFFFFFFF  }
0xa5: {  	s26 =	simm.s32 $execute0_lowered;
	[smem:$0x3FD2] =	sst s25  }
0xa6: {  	s5 =	sshll.u32 s26, $0x1;
	_ =	strace $0x80000046;
	[dreg:$0x1] =	wrdreg $0xFFFFFFFF  }
0xa7: {  	s28 =	simm.s32 $_size_execute0_lowered;
	s3 =	sadd.s32 s3, s5;
	[dreg:$0x0] =	wrdreg $0x0  }
0xa8: {  	s5 =	sshll.u32 s28, $0x1;
	[dreg:$0x2] =	wrdreg s3  }
0xa9: {  	[dreg:$0x3] =	wrdreg s5  }
0xaa: {  	[dreg:$0x4] =	wrdreg $0xC0  }
0xab: {  	_ =	task [dreg:s7], $0x5FFFF  }
0xac: {  	[dreg:$0x1] =	wrdreg $0xFFFFFFFF  }
0xad: {  	[dreg:$0x0] =	wrdreg $0x60  }
0xae: {  	[dreg:$0x2] =	wrdreg s24  }
0xaf: {  	[dreg:$0x3] =	wrdreg s2  }
0xb0: {  	[dreg:$0x4] =	wrdreg $0x9  }
0xb1: {  	_ =	task.clear_ibuf [dreg:s7], $0x5FFFF;
	_ =	strace $0x90000046  }
0xb2: {  	s29 =	simm.s32 $0x9;
	_ =	strace $0x80000048  }
0xb3: {  	_ =	swait.ge [sflag:s29], $0x1  }
0xb4: {  	[sflag:s29] =	ssyncadd.s32 $0xFFFFFFFF  }
0xb5: {  	_ =	strace $0x90000048  }
0xb6: {  	_ =	sfence  }
0xb7: {  	s30 =	sld [smem:$0x0];
	_ =	sdelay $0x2  }
0xb8: {  	s31 =	sshll.u32 s1, $0xD;
	s1 =	sshrl.u32 s1, $0x2  }
0xb9: {  	s3 =	sand.u32 $0x4000, s31;
	s1 =	sadd.s32 s1, s30  }
0xba: {  	s0 =	sor.u32 s3, s0;
	s1 =	sshll.u32 s1, $0x11  }
0xbb: {  	s0 =	sor.u32 s1, s0  }
0xbc: {  	s0 =	sadd.s32 $0x8F2B, s0  }
0xbd: {  	[sflag:s0] =	ssyncadd.remote.s32 $0x1  }
0xbe: {  	_ =	sfence.sel $0xFFFF  }
0xbf: {  	[dreg:$0x0] =	wrdreg $0xFFFFFFFF;
	(pc) =	sbr.abs _section_cstart, $3  }
0xc0: {  	[dreg:$0x1] =	wrdreg $0xFFFFFFFF  }
0xc1: {  	_ =	task.clear_ibuf [dreg:s7], $0x2FFFF;
	_ =	strace $0x9FFFFFFF  }
0xc2: {  	(tm) =	ssettm $0x7FFFFFFF  }
0xc3: {  	_ =	shalt  }
tec
execute0_lowered:
.L_overlay_start_1:
0x0: {  	(tag) =	ssettag $0x1  }
0x1: {  	s1 =	srdreg.scid  }
0x2: {  	s0 =	stileid.u32;
	s9 =	rddreg [dreg:$0x0];
	s8 =	sand.u32 $0x1, s1  }
0x3: {  	s2 =	rddreg [dreg:$0x1];
	s4 =	simm.s32 $0x1;
	s1 =	sor.u32 s8, s0  }
0x4: {  	s3 =	simm.s32 $0x0;
	p1 =	seq.s32 s8, $0x1;
	p0 =	seq.s32 s1, $0x0  }
0x5: {  	vm1 =	vcmask $0xB08;
	v1 =	vimm.f32 $1.000000000e+00;
	s7 =	simm.s32 $0x1;
	s15 =	simm.s32 $0x8000;
	p0 =	por !p0, !p1  }
0x6: {  	vm2 =	vcmask $0xF0C;
	vm0 =	vmmov $0x3;
	v4 =	vimm.f32 $-1.000000000e+00;
	s16 =	simm.s32 $0x0;
	[smem:$0x7FF] =	sst s3;
	p0 =	por !p0, !p0  }
0x7: {  	v0 =	vsel vm1, $0x430E0000, v1;
	v2 =	vsel vm1, $0x43400000, v1;
	v3 =	vsel vm1, $0x43E58000, v1;
	s11 =	smul.u32 $0xE400, s8;
	s1 =	rddreg [dreg:$0x2];
	s4 =	simm.s32 @!p0 $0x0  }
0x8: {  	v1 =	vsel vm2, $0x43730000, v2;
	v2 =	vsel vm2, $0x43C88000, v3;
	v3 =	vlaneseq.u32;
	_ =	strace $0x80000047;
	s6 =	ssub.s32 s0, s4;
	s4 =	sshll.u32 s8, $0x3  }
0x9: {  	vm3 =	vcmask $0xF08;
	vm1 =	vcmask $0x300;
	v3 =	vmul.u32 $0x80, v3;
	s8 =	ssub.s32 $0x2, s8;
	s10 =	smul.u32 $0x22000, s6;
	s5 =	smin.u32 s4, $0x7  }
0xa: {  	v4 =	vsel vm3, $0x3F800000, v4;
	vm3 =	vcmask $0x710;
	v0 =	vsel vm2, $0x42DC0000, v0;
	s6 =	smul.u32 $0xBF400, s6;
	s14 =	sshrl.u32 s8, $0x1;
	s12 =	sadd.s32 $0xB, s5  }
0xb: {  	vm2 =	vcmask $0x704;
	v5 =	vor.u32 $0x800, v3;
	v6 =	vor.u32 $0x1000, v3;
	s5 =	sadd.s32 $0x400, s9;
	s30 =	ssub.s32 s8, s14;
	s13 =	sshll.u32 s12, $0x7  }
0xc: {  	v7 =	vor.u32 $0x1800, v3;
	v8 =	vor.u32 $0x2000, v3;
	v9 =	vadd.s32 $0x2280, v3;
	s14 =	simm.s32 $0xC00;
	s10 =	sadd.s32 s11, s10;
	s29 =	sand.u32 $0xC00, s13  }
0xd: {  	v10 =	vadd.s32 $0x2A80, v3;
	v11 =	vadd.s32 $0x3280, v3;
	v12 =	vadd.s32 $0x3A80, v3;
	s13 =	sand.u32 $0x380, s13;
	s10 =	sshrl.u32 s10, $0x3;
	s11 =	sadd.s32 s29, s6  }
0xe: {  	v13 =	vadd.s32 $0x4280, v3;
	v14 =	vadd.s32 $0x4A80, v3;
	v15 =	vadd.s32 $0x4D00, v3;
	s10 =	sadd.s32 s10, s9;
	s9 =	scvt.s32.f32 s12;
	s11 =	sor.u32 s13, s11  }
0xf: {  	v16 =	vadd.s32 $0x5500, v3;
	v17 =	vadd.s32 $0x5D00, v3;
	v18 =	vadd.s32 $0x6500, v3;
	s12 =	simm.s32 $0x1C000;
	s10 =	sadd.s32 $0x17EC00, s10;
	s31 =	sshrl.u32 s11, $0x3  }
0x10: {  	v19 =	vadd.s32 $0x6D00, v3;
	v20 =	vadd.s32 $0x7500, v3;
	v21 =	vadd.s32 $0x7780, v3;
	s13 =	simm.s32 $0x80;
	s11 =	smax.u32 s30, $0x1;
	s8 =	sadd.s32 s5, s31  }
.LBB2_1:
0x11: {  	[tilespmem:s12], [sflag:$0x1] =	stream.linear.gather [hbm4b:s2+s3], $0x80, $0x38;
	[tilespmem:$0x1C080] =	vst v63  }
0x12: {  	_ =	swait.ge [sflag:s7], $0x80  }
0x13: {  	[sflag:s7] =	ssyncset.done $0x0  }
0x14: {  	[sflag:s7] =	ssyncadd.s32 $0xFFFFFF80  }
0x15: {  	v24 =	vld [tilespmem:$0x1C000];
	_ =	sdelay $0x4  }
0x16: {  	s17 =	simm.s32 $0x80B0;
	s18 =	simm.s32 $0x0;
	v22 =	vsel vm0, v24, v0;
	v23 =	vsel vm0, v24, v1;
	v24 =	vsel vm0, v24, v2  }
.LBB2_2:
0x17: {  	s19 =	sadd.s32 s4, s18  }
0x18: {  	s21 =	simm.s32 $0x0;
	s20 =	sshll.u32 s19, $0x7  }
0x19: {  	s22 =	sshll.u32 s18, $0x7;
	v25 =	vmov s21;
	s20 =	sand.u32 $0xC00, s20  }
0x1a: {  	s22 =	sand.u32 $0x380, s22;
	v25 =	vand.u32 $0x7F, v25;
	s20 =	sadd.s32 s6, s20  }
0x1b: {  	v25 =	vbroadcast v25, $0x0;
	s20 =	sor.u32 s22, s20  }
0x1c: {  	s20 =	sshrl.u32 s20, $0x3  }
0x1d: {  	v26 =	vor.u32 v3, v25;
	s20 =	sadd.s32 s5, s20  }
0x1e: {  	[tilespmem:s21], [sflag:$0x1] =	stream.strided.gather [hbm4b:s20+s13], $0x7F80, s14, s13, $0x38;
	[tilespmem:$0x1C080] =	vst v63  }
0x1f: {  	_ =	swait.ge [sflag:s7], $0x7F80  }
0x20: {  	[sflag:s7] =	ssyncset.done $0x0  }
0x21: {  	[sflag:s7] =	ssyncadd.s32 $0xFFFF8080  }
0x22: {  	v26 =	vld.idx.msk [tilespmem:v26+s3+$0x0], $0xffff;
	_ =	sdelay $0x4  }
0x23: {  	v26 =	vmul.f32 v4, v26;
	_ =	sdelay $0x1  }
0x24: {  	v26 =	vmul.f32 $1.442695020e+00, v26;
	_ =	sdelay $0x1  }
0x25: {  	(erf) = vpow2.f32 v26;
	_ =	sdelay $0x8  }
0x26: {  	v26 =	vpop (erf)  }
0x27: {  	v27 =	vadd.f32 $1.000000000e+00, v26;
	_ =	sdelay $0x1  }
0x28: {  	(erf) = vrcp.f32 v27;
	_ =	sdelay $0x5  }
0x29: {  	s31 =	scvt.s32.f32 s21;
	_ =	sdelay $0x1  }
0x2a: {  	s19 =	scvt.s32.f32 s19;
	v27 =	vmov s31  }
0x2b: {  	v27 =	vnsel vm1, $0x0, v27;
	v28 =	vpop (erf)  }
0x2c: {  	v27 =	vsel vm2, s19, v27;
	v26 =	vsel vm3, v28, v26  }
0x2d: {  	v50 =	vor.u32 v5, v25;
	v26 =	vadd.f32 v26, v27;
	_ =	sdelay $0x1  }
0x2e: {  	v26 =	vmul.f32 v26, v22;
	_ =	sdelay $0x1  }
0x2f: {  	[tilespmem:s17+$0xFFFFFF50] =	vst v26  }
0x30: {  	v26 =	vld.idx.msk [tilespmem:v50+s3+$0x0], $0xffff;
	_ =	sdelay $0x4  }
0x31: {  	v26 =	vsub.f32 $0.0e+00, v26;
	_ =	sdelay $0x1  }
0x32: {  	v26 =	vmul.f32 $1.442695020e+00, v26;
	_ =	sdelay $0x1  }
0x33: {  	(erf) = vpow2.f32 v26;
	_ =	sdelay $0x8  }
0x34: {  	v26 =	vpop (erf)  }
0x35: {  	v26 =	vadd.f32 $1.000000000e+00, v26;
	_ =	sdelay $0x1  }
0x36: {  	(erf) = vrcp.f32 v26;
	_ =	sdelay $0x5  }
0x37: {  	v26 =	vor.u32 v6, v25;
	_ =	sdelay $0x2  }
0x38: {  	v51 =	vpop (erf)  }
0x39: {  	[tilespmem:s17+$0xFFFFFF60] =	vst v51  }
0x3a: {  	v26 =	vld.idx.msk [tilespmem:v26+s3+$0x0], $0xffff;
	_ =	sdelay $0x4  }
0x3b: {  	v26 =	vsub.f32 $0.0e+00, v26;
	_ =	sdelay $0x1  }
0x3c: {  	v26 =	vmul.f32 $1.442695020e+00, v26;
	_ =	sdelay $0x1  }
0x3d: {  	(erf) = vpow2.f32 v26;
	_ =	sdelay $0x8  }
0x3e: {  	v26 =	vpop (erf)  }
0x3f: {  	v26 =	vadd.f32 $1.000000000e+00, v26;
	_ =	sdelay $0x1  }
0x40: {  	(erf) = vrcp.f32 v26;
	_ =	sdelay $0x5  }
0x41: {  	v26 =	vor.u32 v7, v25;
	_ =	sdelay $0x2  }
0x42: {  	v52 =	vpop (erf)  }
0x43: {  	[tilespmem:s17+$0xFFFFFF70] =	vst v52  }
0x44: {  	v26 =	vld.idx.msk [tilespmem:v26+s3+$0x0], $0xffff;
	_ =	sdelay $0x4  }
0x45: {  	v26 =	vsub.f32 $0.0e+00, v26;
	_ =	sdelay $0x1  }
0x46: {  	v26 =	vmul.f32 $1.442695020e+00, v26;
	_ =	sdelay $0x1  }
0x47: {  	(erf) = vpow2.f32 v26;
	_ =	sdelay $0x8  }
0x48: {  	v26 =	vpop (erf)  }
0x49: {  	v26 =	vadd.f32 $1.000000000e+00, v26;
	_ =	sdelay $0x1  }
0x4a: {  	(erf) = vrcp.f32 v26;
	_ =	sdelay $0x5  }
0x4b: {  	v26 =	vor.u32 v8, v25;
	_ =	sdelay $0x2  }
0x4c: {  	v53 =	vpop (erf)  }
0x4d: {  	[tilespmem:s17+$0xFFFFFF80] =	vst v53  }
0x4e: {  	v26 =	vld.idx.msk [tilespmem:v26+s3+$0x0], $0xffff;
	_ =	sdelay $0x4  }
0x4f: {  	v26 =	vsub.f32 $0.0e+00, v26;
	_ =	sdelay $0x1  }
0x50: {  	v26 =	vmul.f32 $1.442695020e+00, v26;
	_ =	sdelay $0x1  }
0x51: {  	(erf) = vpow2.f32 v26;
	_ =	sdelay $0x8  }
0x52: {  	v26 =	vpop (erf)  }
0x53: {  	v26 =	vadd.f32 $1.000000000e+00, v26;
	_ =	sdelay $0x1  }
0x54: {  	(erf) = vrcp.f32 v26;
	_ =	sdelay $0x5  }
0x55: {  	v26 =	vor.u32 v9, v25;
	_ =	sdelay $0x2  }
0x56: {  	v54 =	vpop (erf)  }
0x57: {  	[tilespmem:s17+$0xFFFFFF90] =	vst v54  }
0x58: {  	v26 =	vld.idx.msk [tilespmem:v26+s3+$0x0], $0xffff;
	_ =	sdelay $0x4  }
0x59: {  	v26 =	vsub.f32 $0.0e+00, v26;
	_ =	sdelay $0x1  }
0x5a: {  	v26 =	vmul.f32 $1.442695020e+00, v26;
	_ =	sdelay $0x1  }
0x5b: {  	(erf) = vpow2.f32 v26;
	_ =	sdelay $0x8  }
0x5c: {  	v26 =	vpop (erf)  }
0x5d: {  	v26 =	vadd.f32 $1.000000000e+00, v26;
	_ =	sdelay $0x1  }
0x5e: {  	(erf) = vrcp.f32 v26;
	_ =	sdelay $0x5  }
0x5f: {  	v26 =	vor.u32 v10, v25;
	_ =	sdelay $0x2  }
0x60: {  	v55 =	vpop (erf)  }
0x61: {  	[tilespmem:s17+$0xFFFFFF95] =	vst v55  }
0x62: {  	v26 =	vld.idx.msk [tilespmem:v26+s3+$0x0], $0xffff;
	_ =	sdelay $0x4  }
0x63: {  	v26 =	vmul.f32 v4, v26;
	_ =	sdelay $0x1  }
0x64: {  	v26 =	vmul.f32 $1.442695020e+00, v26;
	_ =	sdelay $0x1  }
0x65: {  	(erf) = vpow2.f32 v26;
	_ =	sdelay $0x8  }
0x66: {  	v26 =	vpop (erf)  }
0x67: {  	v56 =	vadd.f32 $1.000000000e+00, v26;
	_ =	sdelay $0x1  }
0x68: {  	(erf) = vrcp.f32 v56;
	_ =	sdelay $0x8  }
0x69: {  	v28 =	vpop (erf)  }
0x6a: {  	v26 =	vsel vm3, v28, v26  }
0x6b: {  	v57 =	vor.u32 v11, v25;
	v26 =	vadd.f32 v26, v27;
	_ =	sdelay $0x1  }
0x6c: {  	v26 =	vmul.f32 v26, v23;
	_ =	sdelay $0x1  }
0x6d: {  	[tilespmem:s17+$0xFFFFFFD0] =	vst v26  }
0x6e: {  	v26 =	vld.idx.msk [tilespmem:v57+s3+$0x0], $0xffff;
	_ =	sdelay $0x4  }
0x6f: {  	v26 =	vsub.f32 $0.0e+00, v26;
	_ =	sdelay $0x1  }
0x70: {  	v26 =	vmul.f32 $1.442695020e+00, v26;
	_ =	sdelay $0x1  }
0x71: {  	(erf) = vpow2.f32 v26;
	_ =	sdelay $0x8  }
0x72: {  	v26 =	vpop (erf)  }
0x73: {  	v26 =	vadd.f32 $1.000000000e+00, v26;
	_ =	sdelay $0x1  }
0x74: {  	(erf) = vrcp.f32 v26;
	_ =	sdelay $0x5  }
0x75: {  	v26 =	vor.u32 v12, v25;
	_ =	sdelay $0x2  }
0x76: {  	v58 =	vpop (erf)  }
0x77: {  	[tilespmem:s17+$0xFFFFFFE0] =	vst v58  }
0x78: {  	v26 =	vld.idx.msk [tilespmem:v26+s3+$0x0], $0xffff;
	_ =	sdelay $0x4  }
0x79: {  	v26 =	vsub.f32 $0.0e+00, v26;
	_ =	sdelay $0x1  }
0x7a: {  	v26 =	vmul.f32 $1.442695020e+00, v26;
	_ =	sdelay $0x1  }
0x7b: {  	(erf) = vpow2.f32 v26;
	_ =	sdelay $0x8  }
0x7c: {  	v26 =	vpop (erf)  }
0x7d: {  	v26 =	vadd.f32 $1.000000000e+00, v26;
	_ =	sdelay $0x1  }
0x7e: {  	(erf) = vrcp.f32 v26;
	_ =	sdelay $0x5  }
0x7f: {  	v26 =	vor.u32 v13, v25;
	_ =	sdelay $0x2  }
0x80: {  	v59 =	vpop (erf)  }
0x81: {  	[tilespmem:s17+$0xFFFFFFF0] =	vst v59  }
0x82: {  	v26 =	vld.idx.msk [tilespmem:v26+s3+$0x0], $0xffff;
	_ =	sdelay $0x4  }
0x83: {  	v26 =	vsub.f32 $0.0e+00, v26;
	_ =	sdelay $0x1  }
0x84: {  	v26 =	vmul.f32 $1.442695020e+00, v26;
	_ =	sdelay $0x1  }
0x85: {  	(erf) = vpow2.f32 v26;
	_ =	sdelay $0x8  }
0x86: {  	v26 =	vpop (erf)  }
0x87: {  	v26 =	vadd.f32 $1.000000000e+00, v26;
	_ =	sdelay $0x1  }
0x88: {  	(erf) = vrcp.f32 v26;
	_ =	sdelay $0x5  }
0x89: {  	v26 =	vor.u32 v14, v25;
	_ =	sdelay $0x2  }
0x8a: {  	v60 =	vpop (erf)  }
0x8b: {  	[tilespmem:s17+$0x0] =	vst v60  }
0x8c: {  	v26 =	vld.idx.msk [tilespmem:v26+s3+$0x0], $0xffff;
	_ =	sdelay $0x4  }
0x8d: {  	v26 =	vsub.f32 $0.0e+00, v26;
	_ =	sdelay $0x1  }
0x8e: {  	v26 =	vmul.f32 $1.442695020e+00, v26;
	_ =	sdelay $0x1  }
0x8f: {  	(erf) = vpow2.f32 v26;
	_ =	sdelay $0x8  }
0x90: {  	v26 =	vpop (erf)  }
0x91: {  	v26 =	vadd.f32 $1.000000000e+00, v26;
	_ =	sdelay $0x1  }
0x92: {  	(erf) = vrcp.f32 v26;
	_ =	sdelay $0x5  }
0x93: {  	v26 =	vor.u32 v15, v25;
	_ =	sdelay $0x2  }
0x94: {  	v61 =	vpop (erf)  }
0x95: {  	[tilespmem:s17+$0x10] =	vst v61  }
0x96: {  	v26 =	vld.idx.msk [tilespmem:v26+s3+$0x0], $0xffff;
	_ =	sdelay $0x4  }
0x97: {  	v26 =	vsub.f32 $0.0e+00, v26;
	_ =	sdelay $0x1  }
0x98: {  	v26 =	vmul.f32 $1.442695020e+00, v26;
	_ =	sdelay $0x1  }
0x99: {  	(erf) = vpow2.f32 v26;
	_ =	sdelay $0x8  }
0x9a: {  	v26 =	vpop (erf)  }
0x9b: {  	v26 =	vadd.f32 $1.000000000e+00, v26;
	_ =	sdelay $0x1  }
0x9c: {  	(erf) = vrcp.f32 v26;
	_ =	sdelay $0x5  }
0x9d: {  	v26 =	vor.u32 v16, v25;
	_ =	sdelay $0x2  }
0x9e: {  	v62 =	vpop (erf)  }
0x9f: {  	[tilespmem:s17+$0x15] =	vst v62  }
0xa0: {  	v26 =	vld.idx.msk [tilespmem:v26+s3+$0x0], $0xffff;
	_ =	sdelay $0x4  }
0xa1: {  	v26 =	vmul.f32 v4, v26;
	_ =	sdelay $0x1  }
0xa2: {  	v26 =	vmul.f32 $1.442695020e+00, v26;
	_ =	sdelay $0x1  }
0xa3: {  	(erf) = vpow2.f32 v26;
	_ =	sdelay $0x8  }
0xa4: {  	v26 =	vpop (erf)  }
0xa5: {  	v63 =	vadd.f32 $1.000000000e+00, v26;
	_ =	sdelay $0x1  }
0xa6: {  	(erf) = vrcp.f32 v63;
	_ =	sdelay $0x8  }
0xa7: {  	v28 =	vpop (erf)  }
0xa8: {  	v26 =	vsel vm3, v28, v26  }
0xa9: {  	v26 =	vadd.f32 v26, v27;
	v27 =	vor.u32 v17, v25;
	_ =	sdelay $0x1  }
0xaa: {  	v26 =	vmul.f32 v26, v24;
	_ =	sdelay $0x1  }
0xab: {  	[tilespmem:s17+$0x50] =	vst v26  }
0xac: {  	v26 =	vld.idx.msk [tilespmem:v27+s3+$0x0], $0xffff;
	_ =	sdelay $0x4  }
0xad: {  	v26 =	vsub.f32 $0.0e+00, v26;
	_ =	sdelay $0x1  }
0xae: {  	v26 =	vmul.f32 $1.442695020e+00, v26;
	_ =	sdelay $0x1  }
0xaf: {  	(erf) = vpow2.f32 v26;
	_ =	sdelay $0x8  }
0xb0: {  	v26 =	vpop (erf)  }
0xb1: {  	v26 =	vadd.f32 $1.000000000e+00, v26;
	_ =	sdelay $0x1  }
0xb2: {  	(erf) = vrcp.f32 v26;
	_ =	sdelay $0x5  }
0xb3: {  	v26 =	vor.u32 v18, v25;
	_ =	sdelay $0x2  }
0xb4: {  	v27 =	vpop (erf)  }
0xb5: {  	[tilespmem:s17+$0x60] =	vst v27  }
0xb6: {  	v26 =	vld.idx.msk [tilespmem:v26+s3+$0x0], $0xffff;
	_ =	sdelay $0x4  }
0xb7: {  	v26 =	vsub.f32 $0.0e+00, v26;
	_ =	sdelay $0x1  }
0xb8: {  	v26 =	vmul.f32 $1.442695020e+00, v26;
	_ =	sdelay $0x1  }
0xb9: {  	(erf) = vpow2.f32 v26;
	_ =	sdelay $0x8  }
0xba: {  	v26 =	vpop (erf)  }
0xbb: {  	v26 =	vadd.f32 $1.000000000e+00, v26;
	_ =	sdelay $0x1  }
0xbc: {  	(erf) = vrcp.f32 v26;
	_ =	sdelay $0x5  }
0xbd: {  	v26 =	vor.u32 v19, v25;
	_ =	sdelay $0x2  }
0xbe: {  	v27 =	vpop (erf)  }
0xbf: {  	[tilespmem:s17+$0x70] =	vst v27  }
0xc0: {  	v26 =	vld.idx.msk [tilespmem:v26+s3+$0x0], $0xffff;
	_ =	sdelay $0x4  }
0xc1: {  	v26 =	vsub.f32 $0.0e+00, v26;
	_ =	sdelay $0x1  }
0xc2: {  	v26 =	vmul.f32 $1.442695020e+00, v26;
	_ =	sdelay $0x1  }
0xc3: {  	(erf) = vpow2.f32 v26;
	_ =	sdelay $0x8  }
0xc4: {  	v26 =	vpop (erf)  }
0xc5: {  	v26 =	vadd.f32 $1.000000000e+00, v26;
	_ =	sdelay $0x1  }
0xc6: {  	(erf) = vrcp.f32 v26;
	_ =	sdelay $0x5  }
0xc7: {  	v26 =	vor.u32 v20, v25;
	_ =	sdelay $0x2  }
0xc8: {  	v27 =	vpop (erf)  }
0xc9: {  	[tilespmem:s17+$0x80] =	vst v27  }
0xca: {  	v26 =	vld.idx.msk [tilespmem:v26+s3+$0x0], $0xffff;
	_ =	sdelay $0x4  }
0xcb: {  	v26 =	vsub.f32 $0.0e+00, v26;
	_ =	sdelay $0x1  }
0xcc: {  	v26 =	vmul.f32 $1.442695020e+00, v26;
	_ =	sdelay $0x1  }
0xcd: {  	(erf) = vpow2.f32 v26;
	_ =	sdelay $0x8  }
0xce: {  	v26 =	vpop (erf)  }
0xcf: {  	v26 =	vadd.f32 $1.000000000e+00, v26;
	_ =	sdelay $0x1  }
0xd0: {  	(erf) = vrcp.f32 v26;
	_ =	sdelay $0x5  }
0xd1: {  	v25 =	vor.u32 v21, v25;
	_ =	sdelay $0x2  }
0xd2: {  	v26 =	vpop (erf)  }
0xd3: {  	[tilespmem:s17+$0x90] =	vst v26  }
0xd4: {  	v25 =	vld.idx.msk [tilespmem:v25+s3+$0x0], $0xffff;
	_ =	sdelay $0x4  }
0xd5: {  	v25 =	vsub.f32 $0.0e+00, v25;
	_ =	sdelay $0x1  }
0xd6: {  	v25 =	vmul.f32 $1.442695020e+00, v25;
	_ =	sdelay $0x1  }
0xd7: {  	(erf) = vpow2.f32 v25;
	_ =	sdelay $0x8  }
0xd8: {  	v25 =	vpop (erf)  }
0xd9: {  	v25 =	vadd.f32 $1.000000000e+00, v25;
	_ =	sdelay $0x1  }
0xda: {  	(erf) = vrcp.f32 v25  }
0xdb: {  	s21 =	simm.s32 $0x1  }
0xdc: {  	s22 =	simm.s32 $0x2;
	s20 =	smov.u32 s17;
	v25 =	vmov s21  }
.LBB2_3:
0xdd: {  	p0 =	sne.s32 s22, $0x12;
	v25 =	vand.u32 $0x7F, v25  }
0xde: {  	v25 =	vbroadcast v25, $0x0;
	_ =	sdelay $0x1  }
0xdf: {  	v26 =	vor.u32 v3, v25;
	_ =	sdelay $0x2  }
0xe0: {  	v27 =	vpop (erf)  }
0xe1: {  	[tilespmem:s20+$0x95] =	vst v27  }
0xe2: {  	v26 =	vld.idx.msk [tilespmem:v26+s3+$0x0], $0xffff;
	_ =	sdelay $0x5  }
0xe3: {  	v26 =	vmul.f32 v4, v26;
	_ =	sdelay $0x1  }
0xe4: {  	v26 =	vmul.f32 $1.442695020e+00, v26;
	_ =	sdelay $0x1  }
0xe5: {  	(erf) = vpow2.f32 v26;
	_ =	sdelay $0x8  }
0xe6: {  	v27 =	vpop (erf)  }
0xe7: {  	v26 =	vadd.f32 $1.000000000e+00, v27;
	_ =	sdelay $0x1  }
0xe8: {  	(erf) = vrcp.f32 v26;
	_ =	sdelay $0x5  }
0xe9: {  	s23 =	scvt.s32.f32 s21;
	s21 =	smov.u32 s22;
	_ =	sdelay $0x1  }
0xea: {  	v26 =	vmov s23  }
0xeb: {  	v26 =	vnsel vm1, $0x0, v26;
	v28 =	vpop (erf)  }
0xec: {  	v26 =	vsel vm2, s19, v26;
	v27 =	vsel vm3, v28, v27  }
0xed: {  	v28 =	vor.u32 v5, v25;
	v27 =	vadd.f32 v27, v26;
	_ =	sdelay $0x1  }
0xee: {  	v27 =	vmul.f32 v27, v22  }
0xef: {  	s20 =	sadd.s32 $0x180, s20  }
0xf0: {  	[tilespmem:s20+$0xFFFFFF50] =	vst v27  }
0xf1: {  	v27 =	vld.idx.msk [tilespmem:v28+s3+$0x0], $0xffff;
	_ =	sdelay $0x5  }
0xf2: {  	v27 =	vsub.f32 $0.0e+00, v27;
	_ =	sdelay $0x1  }
0xf3: {  	v27 =	vmul.f32 $1.442695020e+00, v27;
	_ =	sdelay $0x1  }
0xf4: {  	(erf) = vpow2.f32 v27;
	_ =	sdelay $0x8  }
0xf5: {  	v27 =	vpop (erf)  }
0xf6: {  	v27 =	vadd.f32 $1.000000000e+00, v27;
	_ =	sdelay $0x1  }
0xf7: {  	(erf) = vrcp.f32 v27;
	_ =	sdelay $0x5  }
0xf8: {  	v27 =	vor.u32 v6, v25;
	_ =	sdelay $0x2  }
0xf9: {  	v28 =	vpop (erf)  }
0xfa: {  	[tilespmem:s20+$0xFFFFFF60] =	vst v28  }
0xfb: {  	v27 =	vld.idx.msk [tilespmem:v27+s3+$0x0], $0xffff;
	_ =	sdelay $0x5  }
0xfc: {  	v27 =	vsub.f32 $0.0e+00, v27;
	_ =	sdelay $0x1  }
0xfd: {  	v27 =	vmul.f32 $1.442695020e+00, v27;
	_ =	sdelay $0x1  }
0xfe: {  	(erf) = vpow2.f32 v27;
	_ =	sdelay $0x8  }
0xff: {  	v27 =	vpop (erf)  }
0x100: {  	v27 =	vadd.f32 $1.000000000e+00, v27;
	_ =	sdelay $0x1  }
0x101: {  	(erf) = vrcp.f32 v27;
	_ =	sdelay $0x5  }
0x102: {  	v27 =	vor.u32 v7, v25;
	_ =	sdelay $0x2  }
0x103: {  	v28 =	vpop (erf)  }
0x104: {  	[tilespmem:s20+$0xFFFFFF70] =	vst v28  }
0x105: {  	v27 =	vld.idx.msk [tilespmem:v27+s3+$0x0], $0xffff;
	_ =	sdelay $0x5  }
0x106: {  	v27 =	vsub.f32 $0.0e+00, v27;
	_ =	sdelay $0x1  }
0x107: {  	v27 =	vmul.f32 $1.442695020e+00, v27;
	_ =	sdelay $0x1  }
0x108: {  	(erf) = vpow2.f32 v27;
	_ =	sdelay $0x8  }
0x109: {  	v27 =	vpop (erf)  }
0x10a: {  	v27 =	vadd.f32 $1.000000000e+00, v27;
	_ =	sdelay $0x1  }
0x10b: {  	(erf) = vrcp.f32 v27;
	_ =	sdelay $0x5  }
0x10c: {  	v27 =	vor.u32 v8, v25;
	_ =	sdelay $0x2  }
0x10d: {  	v28 =	vpop (erf)  }
0x10e: {  	[tilespmem:s20+$0xFFFFFF80] =	vst v28  }
0x10f: {  	v27 =	vld.idx.msk [tilespmem:v27+s3+$0x0], $0xffff;
	_ =	sdelay $0x5  }
0x110: {  	v27 =	vsub.f32 $0.0e+00, v27;
	_ =	sdelay $0x1  }
0x111: {  	v27 =	vmul.f32 $1.442695020e+00, v27;
	_ =	sdelay $0x1  }
0x112: {  	(erf) = vpow2.f32 v27;
	_ =	sdelay $0x8  }
0x113: {  	v27 =	vpop (erf)  }
0x114: {  	v27 =	vadd.f32 $1.000000000e+00, v27;
	_ =	sdelay $0x1  }
0x115: {  	(erf) = vrcp.f32 v27;
	_ =	sdelay $0x5  }
0x116: {  	v27 =	vor.u32 v9, v25;
	_ =	sdelay $0x2  }
0x117: {  	v28 =	vpop (erf)  }
0x118: {  	[tilespmem:s20+$0xFFFFFF90] =	vst v28  }
0x119: {  	v27 =	vld.idx.msk [tilespmem:v27+s3+$0x0], $0xffff;
	_ =	sdelay $0x5  }
0x11a: {  	v27 =	vsub.f32 $0.0e+00, v27;
	_ =	sdelay $0x1  }
0x11b: {  	v27 =	vmul.f32 $1.442695020e+00, v27;
	_ =	sdelay $0x1  }
0x11c: {  	(erf) = vpow2.f32 v27;
	_ =	sdelay $0x8  }
0x11d: {  	v27 =	vpop (erf)  }
0x11e: {  	v27 =	vadd.f32 $1.000000000e+00, v27;
	_ =	sdelay $0x1  }
0x11f: {  	(erf) = vrcp.f32 v27;
	_ =	sdelay $0x5  }
0x120: {  	v27 =	vor.u32 v10, v25;
	_ =	sdelay $0x2  }
0x121: {  	v28 =	vpop (erf)  }
0x122: {  	[tilespmem:s20+$0xFFFFFF95] =	vst v28  }
0x123: {  	v27 =	vld.idx.msk [tilespmem:v27+s3+$0x0], $0xffff;
	_ =	sdelay $0x5  }
0x124: {  	v27 =	vmul.f32 v4, v27;
	_ =	sdelay $0x1  }
0x125: {  	v27 =	vmul.f32 $1.442695020e+00, v27;
	_ =	sdelay $0x1  }
0x126: {  	(erf) = vpow2.f32 v27;
	_ =	sdelay $0x8  }
0x127: {  	v27 =	vpop (erf)  }
0x128: {  	v28 =	vadd.f32 $1.000000000e+00, v27;
	_ =	sdelay $0x1  }
0x129: {  	(erf) = vrcp.f32 v28;
	_ =	sdelay $0x8  }
0x12a: {  	v28 =	vpop (erf)  }
0x12b: {  	v27 =	vsel vm3, v28, v27  }
0x12c: {  	v28 =	vor.u32 v11, v25;
	v27 =	vadd.f32 v27, v26;
	_ =	sdelay $0x1  }
0x12d: {  	v27 =	vmul.f32 v27, v23;
	_ =	sdelay $0x1  }
0x12e: {  	[tilespmem:s20+$0xFFFFFFD0] =	vst v27  }
0x12f: {  	v27 =	vld.idx.msk [tilespmem:v28+s3+$0x0], $0xffff;
	_ =	sdelay $0x5  }
0x130: {  	v27 =	vsub.f32 $0.0e+00, v27;
	_ =	sdelay $0x1  }
0x131: {  	v27 =	vmul.f32 $1.442695020e+00, v27;
	_ =	sdelay $0x1  }
0x132: {  	(erf) = vpow2.f32 v27;
	_ =	sdelay $0x8  }
0x133: {  	v27 =	vpop (erf)  }
0x134: {  	v27 =	vadd.f32 $1.000000000e+00, v27;
	_ =	sdelay $0x1  }
0x135: {  	(erf) = vrcp.f32 v27;
	_ =	sdelay $0x5  }
0x136: {  	v27 =	vor.u32 v12, v25;
	_ =	sdelay $0x2  }
0x137: {  	v28 =	vpop (erf)  }
0x138: {  	[tilespmem:s20+$0xFFFFFFE0] =	vst v28  }
0x139: {  	v27 =	vld.idx.msk [tilespmem:v27+s3+$0x0], $0xffff;
	_ =	sdelay $0x5  }
0x13a: {  	v27 =	vsub.f32 $0.0e+00, v27;
	_ =	sdelay $0x1  }
0x13b: {  	v27 =	vmul.f32 $1.442695020e+00, v27;
	_ =	sdelay $0x1  }
0x13c: {  	(erf) = vpow2.f32 v27;
	_ =	sdelay $0x8  }
0x13d: {  	v27 =	vpop (erf)  }
0x13e: {  	v27 =	vadd.f32 $1.000000000e+00, v27;
	_ =	sdelay $0x1  }
0x13f: {  	(erf) = vrcp.f32 v27;
	_ =	sdelay $0x5  }
0x140: {  	v27 =	vor.u32 v13, v25;
	_ =	sdelay $0x2  }
0x141: {  	v28 =	vpop (erf)  }
0x142: {  	[tilespmem:s20+$0xFFFFFFF0] =	vst v28  }
0x143: {  	v27 =	vld.idx.msk [tilespmem:v27+s3+$0x0], $0xffff;
	_ =	sdelay $0x5  }
0x144: {  	v27 =	vsub.f32 $0.0e+00, v27;
	_ =	sdelay $0x1  }
0x145: {  	v27 =	vmul.f32 $1.442695020e+00, v27;
	_ =	sdelay $0x1  }
0x146: {  	(erf) = vpow2.f32 v27;
	_ =	sdelay $0x8  }
0x147: {  	v27 =	vpop (erf)  }
0x148: {  	v27 =	vadd.f32 $1.000000000e+00, v27;
	_ =	sdelay $0x1  }
0x149: {  	(erf) = vrcp.f32 v27;
	_ =	sdelay $0x5  }
0x14a: {  	v27 =	vor.u32 v14, v25;
	_ =	sdelay $0x2  }
0x14b: {  	v28 =	vpop (erf)  }
0x14c: {  	[tilespmem:s20+$0x0] =	vst v28  }
0x14d: {  	v27 =	vld.idx.msk [tilespmem:v27+s3+$0x0], $0xffff;
	_ =	sdelay $0x5  }
0x14e: {  	v27 =	vsub.f32 $0.0e+00, v27;
	_ =	sdelay $0x1  }
0x14f: {  	v27 =	vmul.f32 $1.442695020e+00, v27;
	_ =	sdelay $0x1  }
0x150: {  	(erf) = vpow2.f32 v27;
	_ =	sdelay $0x8  }
0x151: {  	v27 =	vpop (erf)  }
0x152: {  	v27 =	vadd.f32 $1.000000000e+00, v27;
	_ =	sdelay $0x1  }
0x153: {  	(erf) = vrcp.f32 v27;
	_ =	sdelay $0x5  }
0x154: {  	v27 =	vor.u32 v15, v25;
	_ =	sdelay $0x2  }
0x155: {  	v28 =	vpop (erf)  }
0x156: {  	[tilespmem:s20+$0x10] =	vst v28  }
0x157: {  	v27 =	vld.idx.msk [tilespmem:v27+s3+$0x0], $0xffff;
	_ =	sdelay $0x5  }
0x158: {  	v27 =	vsub.f32 $0.0e+00, v27;
	_ =	sdelay $0x1  }
0x159: {  	v27 =	vmul.f32 $1.442695020e+00, v27;
	_ =	sdelay $0x1  }
0x15a: {  	(erf) = vpow2.f32 v27;
	_ =	sdelay $0x8  }
0x15b: {  	v27 =	vpop (erf)  }
0x15c: {  	v27 =	vadd.f32 $1.000000000e+00, v27;
	_ =	sdelay $0x1  }
0x15d: {  	(erf) = vrcp.f32 v27;
	_ =	sdelay $0x5  }
0x15e: {  	v27 =	vor.u32 v16, v25;
	_ =	sdelay $0x2  }
0x15f: {  	v28 =	vpop (erf)  }
0x160: {  	[tilespmem:s20+$0x15] =	vst v28  }
0x161: {  	v27 =	vld.idx.msk [tilespmem:v27+s3+$0x0], $0xffff;
	_ =	sdelay $0x5  }
0x162: {  	v27 =	vmul.f32 v4, v27;
	_ =	sdelay $0x1  }
0x163: {  	v27 =	vmul.f32 $1.442695020e+00, v27;
	_ =	sdelay $0x1  }
0x164: {  	(erf) = vpow2.f32 v27;
	_ =	sdelay $0x8  }
0x165: {  	v27 =	vpop (erf)  }
0x166: {  	v28 =	vadd.f32 $1.000000000e+00, v27;
	_ =	sdelay $0x1  }
0x167: {  	(erf) = vrcp.f32 v28;
	_ =	sdelay $0x8  }
0x168: {  	v28 =	vpop (erf)  }
0x169: {  	v27 =	vsel vm3, v28, v27  }
0x16a: {  	v26 =	vadd.f32 v27, v26;
	v27 =	vor.u32 v17, v25;
	_ =	sdelay $0x1  }
0x16b: {  	v26 =	vmul.f32 v26, v24;
	_ =	sdelay $0x1  }
0x16c: {  	[tilespmem:s20+$0x50] =	vst v26  }
0x16d: {  	v26 =	vld.idx.msk [tilespmem:v27+s3+$0x0], $0xffff;
	_ =	sdelay $0x5  }
0x16e: {  	v26 =	vsub.f32 $0.0e+00, v26;
	_ =	sdelay $0x1  }
0x16f: {  	v26 =	vmul.f32 $1.442695020e+00, v26;
	_ =	sdelay $0x1  }
0x170: {  	(erf) = vpow2.f32 v26;
	_ =	sdelay $0x8  }
0x171: {  	v26 =	vpop (erf)  }
0x172: {  	v26 =	vadd.f32 $1.000000000e+00, v26;
	_ =	sdelay $0x1  }
0x173: {  	(erf) = vrcp.f32 v26;
	_ =	sdelay $0x5  }
0x174: {  	v26 =	vor.u32 v18, v25;
	_ =	sdelay $0x2  }
0x175: {  	v27 =	vpop (erf)  }
0x176: {  	[tilespmem:s20+$0x60] =	vst v27  }
0x177: {  	v26 =	vld.idx.msk [tilespmem:v26+s3+$0x0], $0xffff;
	_ =	sdelay $0x5  }
0x178: {  	v26 =	vsub.f32 $0.0e+00, v26;
	_ =	sdelay $0x1  }
0x179: {  	v26 =	vmul.f32 $1.442695020e+00, v26;
	_ =	sdelay $0x1  }
0x17a: {  	(erf) = vpow2.f32 v26;
	_ =	sdelay $0x8  }
0x17b: {  	v26 =	vpop (erf)  }
0x17c: {  	v26 =	vadd.f32 $1.000000000e+00, v26;
	_ =	sdelay $0x1  }
0x17d: {  	(erf) = vrcp.f32 v26;
	_ =	sdelay $0x5  }
0x17e: {  	v26 =	vor.u32 v19, v25;
	_ =	sdelay $0x2  }
0x17f: {  	v27 =	vpop (erf)  }
0x180: {  	[tilespmem:s20+$0x70] =	vst v27  }
0x181: {  	v26 =	vld.idx.msk [tilespmem:v26+s3+$0x0], $0xffff;
	_ =	sdelay $0x5  }
0x182: {  	v26 =	vsub.f32 $0.0e+00, v26;
	_ =	sdelay $0x1  }
0x183: {  	v26 =	vmul.f32 $1.442695020e+00, v26;
	_ =	sdelay $0x1  }
0x184: {  	(erf) = vpow2.f32 v26;
	_ =	sdelay $0x8  }
0x185: {  	v26 =	vpop (erf)  }
0x186: {  	v26 =	vadd.f32 $1.000000000e+00, v26;
	_ =	sdelay $0x1  }
0x187: {  	(erf) = vrcp.f32 v26;
	_ =	sdelay $0x5  }
0x188: {  	v26 =	vor.u32 v20, v25;
	_ =	sdelay $0x2  }
0x189: {  	v27 =	vpop (erf)  }
0x18a: {  	[tilespmem:s20+$0x80] =	vst v27  }
0x18b: {  	v26 =	vld.idx.msk [tilespmem:v26+s3+$0x0], $0xffff;
	_ =	sdelay $0x5  }
0x18c: {  	v26 =	vsub.f32 $0.0e+00, v26;
	_ =	sdelay $0x1  }
0x18d: {  	v26 =	vmul.f32 $1.442695020e+00, v26;
	_ =	sdelay $0x1  }
0x18e: {  	(erf) = vpow2.f32 v26;
	_ =	sdelay $0x8  }
0x18f: {  	v26 =	vpop (erf)  }
0x190: {  	v26 =	vadd.f32 $1.000000000e+00, v26;
	_ =	sdelay $0x1  }
0x191: {  	(erf) = vrcp.f32 v26;
	_ =	sdelay $0x5  }
0x192: {  	v25 =	vor.u32 v21, v25;
	_ =	sdelay $0x2  }
0x193: {  	v26 =	vpop (erf)  }
0x194: {  	[tilespmem:s20+$0x90] =	vst v26  }
0x195: {  	v25 =	vld.idx.msk [tilespmem:v25+s3+$0x0], $0xffff;
	_ =	sdelay $0x5  }
0x196: {  	v25 =	vsub.f32 $0.0e+00, v25;
	_ =	sdelay $0x1  }
0x197: {  	v25 =	vmul.f32 $1.442695020e+00, v25;
	_ =	sdelay $0x1  }
0x198: {  	(erf) = vpow2.f32 v25;
	_ =	sdelay $0x8  }
0x199: {  	v25 =	vpop (erf)  }
.Ltmp0:
0x19a: {  	v25 =	vadd.f32 $1.000000000e+00, v25;
	(pc) =	sbr.rel @p0 .LBB2_3-.Ltmp0, $3  }
0x19b: {  	_ = 	snop  }
0x19c: {  	(erf) = vrcp.f32 v25;
	_ =	sdelay $0x1  }
0x19d: {  	s22 =	sadd.s32 $0x1, s22;
	v25 =	vmov s21  }
0x19e: {  	v25 =	vand.u32 $0x7F, v25  }
0x19f: {  	v25 =	vbroadcast v25, $0x0;
	_ =	sdelay $0x1  }
0x1a0: {  	v26 =	vor.u32 v3, v25;
	_ =	sdelay $0x2  }
0x1a1: {  	v27 =	vpop (erf)  }
0x1a2: {  	[tilespmem:s20+$0x95] =	vst v27  }
0x1a3: {  	v26 =	vld.idx.msk [tilespmem:v26+s3+$0x0], $0xffff;
	_ =	sdelay $0x4  }
0x1a4: {  	v26 =	vmul.f32 v4, v26;
	_ =	sdelay $0x1  }
0x1a5: {  	v26 =	vmul.f32 $1.442695020e+00, v26;
	_ =	sdelay $0x1  }
0x1a6: {  	(erf) = vpow2.f32 v26;
	_ =	sdelay $0x8  }
0x1a7: {  	v27 =	vpop (erf)  }
0x1a8: {  	v26 =	vadd.f32 $1.000000000e+00, v27;
	_ =	sdelay $0x1  }
0x1a9: {  	(erf) = vrcp.f32 v26;
	_ =	sdelay $0x5  }
0x1aa: {  	s21 =	scvt.s32.f32 s21;
	_ =	sdelay $0x1  }
0x1ab: {  	v26 =	vmov s21  }
0x1ac: {  	v26 =	vnsel vm1, $0x0, v26;
	v28 =	vpop (erf)  }
0x1ad: {  	v26 =	vsel vm2, s19, v26;
	v27 =	vsel vm3, v28, v27  }
0x1ae: {  	v50 =	vor.u32 v5, v25;
	v27 =	vadd.f32 v27, v26;
	_ =	sdelay $0x1  }
0x1af: {  	v27 =	vmul.f32 v27, v22  }
0x1b0: {  	s31 =	sadd.s32 $0x180, s20  }
0x1b1: {  	[tilespmem:s31+$0xFFFFFF50] =	vst v27  }
0x1b2: {  	v27 =	vld.idx.msk [tilespmem:v50+s3+$0x0], $0xffff;
	_ =	sdelay $0x4  }
0x1b3: {  	v27 =	vsub.f32 $0.0e+00, v27;
	_ =	sdelay $0x1  }
0x1b4: {  	v27 =	vmul.f32 $1.442695020e+00, v27;
	_ =	sdelay $0x1  }
0x1b5: {  	(erf) = vpow2.f32 v27;
	_ =	sdelay $0x8  }
0x1b6: {  	v27 =	vpop (erf)  }
0x1b7: {  	v27 =	vadd.f32 $1.000000000e+00, v27;
	_ =	sdelay $0x1  }
0x1b8: {  	(erf) = vrcp.f32 v27;
	_ =	sdelay $0x5  }
0x1b9: {  	v27 =	vor.u32 v6, v25;
	_ =	sdelay $0x2  }
0x1ba: {  	v51 =	vpop (erf)  }
0x1bb: {  	[tilespmem:s31+$0xFFFFFF60] =	vst v51  }
0x1bc: {  	v27 =	vld.idx.msk [tilespmem:v27+s3+$0x0], $0xffff;
	_ =	sdelay $0x4  }
0x1bd: {  	v27 =	vsub.f32 $0.0e+00, v27;
	_ =	sdelay $0x1  }
0x1be: {  	v27 =	vmul.f32 $1.442695020e+00, v27;
	_ =	sdelay $0x1  }
0x1bf: {  	(erf) = vpow2.f32 v27;
	_ =	sdelay $0x8  }
0x1c0: {  	v27 =	vpop (erf)  }
0x1c1: {  	v27 =	vadd.f32 $1.000000000e+00, v27;
	_ =	sdelay $0x1  }
0x1c2: {  	(erf) = vrcp.f32 v27;
	_ =	sdelay $0x5  }
0x1c3: {  	v27 =	vor.u32 v7, v25;
	_ =	sdelay $0x2  }
0x1c4: {  	v52 =	vpop (erf)  }
0x1c5: {  	[tilespmem:s31+$0xFFFFFF70] =	vst v52  }
0x1c6: {  	v27 =	vld.idx.msk [tilespmem:v27+s3+$0x0], $0xffff;
	_ =	sdelay $0x4  }
0x1c7: {  	v27 =	vsub.f32 $0.0e+00, v27;
	_ =	sdelay $0x1  }
0x1c8: {  	v27 =	vmul.f32 $1.442695020e+00, v27;
	_ =	sdelay $0x1  }
0x1c9: {  	(erf) = vpow2.f32 v27;
	_ =	sdelay $0x8  }
0x1ca: {  	v27 =	vpop (erf)  }
0x1cb: {  	v27 =	vadd.f32 $1.000000000e+00, v27;
	_ =	sdelay $0x1  }
0x1cc: {  	(erf) = vrcp.f32 v27;
	_ =	sdelay $0x5  }
0x1cd: {  	v27 =	vor.u32 v8, v25;
	_ =	sdelay $0x2  }
0x1ce: {  	v53 =	vpop (erf)  }
0x1cf: {  	[tilespmem:s31+$0xFFFFFF80] =	vst v53  }
0x1d0: {  	v27 =	vld.idx.msk [tilespmem:v27+s3+$0x0], $0xffff;
	_ =	sdelay $0x4  }
0x1d1: {  	v27 =	vsub.f32 $0.0e+00, v27;
	_ =	sdelay $0x1  }
0x1d2: {  	v27 =	vmul.f32 $1.442695020e+00, v27;
	_ =	sdelay $0x1  }
0x1d3: {  	(erf) = vpow2.f32 v27;
	_ =	sdelay $0x8  }
0x1d4: {  	v27 =	vpop (erf)  }
0x1d5: {  	v27 =	vadd.f32 $1.000000000e+00, v27;
	_ =	sdelay $0x1  }
0x1d6: {  	(erf) = vrcp.f32 v27;
	_ =	sdelay $0x5  }
0x1d7: {  	v27 =	vor.u32 v9, v25;
	_ =	sdelay $0x2  }
0x1d8: {  	v54 =	vpop (erf)  }
0x1d9: {  	[tilespmem:s31+$0xFFFFFF90] =	vst v54  }
0x1da: {  	v27 =	vld.idx.msk [tilespmem:v27+s3+$0x0], $0xffff;
	_ =	sdelay $0x4  }
0x1db: {  	v27 =	vsub.f32 $0.0e+00, v27;
	_ =	sdelay $0x1  }
0x1dc: {  	v27 =	vmul.f32 $1.442695020e+00, v27;
	_ =	sdelay $0x1  }
0x1dd: {  	(erf) = vpow2.f32 v27;
	_ =	sdelay $0x8  }
0x1de: {  	v27 =	vpop (erf)  }
0x1df: {  	v27 =	vadd.f32 $1.000000000e+00, v27;
	_ =	sdelay $0x1  }
0x1e0: {  	(erf) = vrcp.f32 v27;
	_ =	sdelay $0x5  }
0x1e1: {  	v27 =	vor.u32 v10, v25;
	_ =	sdelay $0x2  }
0x1e2: {  	v55 =	vpop (erf)  }
0x1e3: {  	[tilespmem:s31+$0xFFFFFF95] =	vst v55  }
0x1e4: {  	v27 =	vld.idx.msk [tilespmem:v27+s3+$0x0], $0xffff;
	_ =	sdelay $0x4  }
0x1e5: {  	v27 =	vmul.f32 v4, v27;
	_ =	sdelay $0x1  }
0x1e6: {  	v27 =	vmul.f32 $1.442695020e+00, v27;
	_ =	sdelay $0x1  }
0x1e7: {  	(erf) = vpow2.f32 v27;
	_ =	sdelay $0x8  }
0x1e8: {  	v27 =	vpop (erf)  }
0x1e9: {  	v56 =	vadd.f32 $1.000000000e+00, v27;
	_ =	sdelay $0x1  }
0x1ea: {  	(erf) = vrcp.f32 v56;
	_ =	sdelay $0x8  }
0x1eb: {  	v28 =	vpop (erf)  }
0x1ec: {  	v27 =	vsel vm3, v28, v27  }
0x1ed: {  	v57 =	vor.u32 v11, v25;
	v27 =	vadd.f32 v27, v26;
	_ =	sdelay $0x1  }
0x1ee: {  	v27 =	vmul.f32 v27, v23;
	_ =	sdelay $0x1  }
0x1ef: {  	[tilespmem:s31+$0xFFFFFFD0] =	vst v27  }
0x1f0: {  	v27 =	vld.idx.msk [tilespmem:v57+s3+$0x0], $0xffff;
	_ =	sdelay $0x4  }
0x1f1: {  	v27 =	vsub.f32 $0.0e+00, v27;
	_ =	sdelay $0x1  }
0x1f2: {  	v27 =	vmul.f32 $1.442695020e+00, v27;
	_ =	sdelay $0x1  }
0x1f3: {  	(erf) = vpow2.f32 v27;
	_ =	sdelay $0x8  }
0x1f4: {  	v27 =	vpop (erf)  }
0x1f5: {  	v27 =	vadd.f32 $1.000000000e+00, v27;
	_ =	sdelay $0x1  }
0x1f6: {  	(erf) = vrcp.f32 v27;
	_ =	sdelay $0x5  }
0x1f7: {  	v27 =	vor.u32 v12, v25;
	_ =	sdelay $0x2  }
0x1f8: {  	v58 =	vpop (erf)  }
0x1f9: {  	[tilespmem:s31+$0xFFFFFFE0] =	vst v58  }
0x1fa: {  	v27 =	vld.idx.msk [tilespmem:v27+s3+$0x0], $0xffff;
	_ =	sdelay $0x4  }
0x1fb: {  	v27 =	vsub.f32 $0.0e+00, v27;
	_ =	sdelay $0x1  }
0x1fc: {  	v27 =	vmul.f32 $1.442695020e+00, v27;
	_ =	sdelay $0x1  }
0x1fd: {  	(erf) = vpow2.f32 v27;
	_ =	sdelay $0x8  }
0x1fe: {  	v27 =	vpop (erf)  }
0x1ff: {  	v27 =	vadd.f32 $1.000000000e+00, v27;
	_ =	sdelay $0x1  }
0x200: {  	(erf) = vrcp.f32 v27;
	_ =	sdelay $0x5  }
0x201: {  	v27 =	vor.u32 v13, v25;
	_ =	sdelay $0x2  }
0x202: {  	v59 =	vpop (erf)  }
0x203: {  	[tilespmem:s31+$0xFFFFFFF0] =	vst v59  }
0x204: {  	v27 =	vld.idx.msk [tilespmem:v27+s3+$0x0], $0xffff;
	_ =	sdelay $0x4  }
0x205: {  	v27 =	vsub.f32 $0.0e+00, v27;
	_ =	sdelay $0x1  }
0x206: {  	v27 =	vmul.f32 $1.442695020e+00, v27;
	_ =	sdelay $0x1  }
0x207: {  	(erf) = vpow2.f32 v27;
	_ =	sdelay $0x8  }
0x208: {  	v27 =	vpop (erf)  }
0x209: {  	v27 =	vadd.f32 $1.000000000e+00, v27;
	_ =	sdelay $0x1  }
0x20a: {  	(erf) = vrcp.f32 v27;
	_ =	sdelay $0x5  }
0x20b: {  	v27 =	vor.u32 v14, v25;
	_ =	sdelay $0x2  }
0x20c: {  	v60 =	vpop (erf)  }
0x20d: {  	[tilespmem:s31+$0x0] =	vst v60  }
0x20e: {  	v27 =	vld.idx.msk [tilespmem:v27+s3+$0x0], $0xffff;
	_ =	sdelay $0x4  }
0x20f: {  	v27 =	vsub.f32 $0.0e+00, v27;
	_ =	sdelay $0x1  }
0x210: {  	v27 =	vmul.f32 $1.442695020e+00, v27;
	_ =	sdelay $0x1  }
0x211: {  	(erf) = vpow2.f32 v27;
	_ =	sdelay $0x8  }
0x212: {  	v27 =	vpop (erf)  }
0x213: {  	v27 =	vadd.f32 $1.000000000e+00, v27;
	_ =	sdelay $0x1  }
0x214: {  	(erf) = vrcp.f32 v27;
	_ =	sdelay $0x5  }
0x215: {  	v27 =	vor.u32 v15, v25;
	_ =	sdelay $0x2  }
0x216: {  	v61 =	vpop (erf)  }
0x217: {  	[tilespmem:s31+$0x10] =	vst v61  }
0x218: {  	v27 =	vld.idx.msk [tilespmem:v27+s3+$0x0], $0xffff;
	_ =	sdelay $0x4  }
0x219: {  	v27 =	vsub.f32 $0.0e+00, v27;
	_ =	sdelay $0x1  }
0x21a: {  	v27 =	vmul.f32 $1.442695020e+00, v27;
	_ =	sdelay $0x1  }
0x21b: {  	(erf) = vpow2.f32 v27;
	_ =	sdelay $0x8  }
0x21c: {  	v27 =	vpop (erf)  }
0x21d: {  	v27 =	vadd.f32 $1.000000000e+00, v27;
	_ =	sdelay $0x1  }
0x21e: {  	(erf) = vrcp.f32 v27;
	_ =	sdelay $0x5  }
0x21f: {  	v27 =	vor.u32 v16, v25;
	_ =	sdelay $0x2  }
0x220: {  	v62 =	vpop (erf)  }
0x221: {  	[tilespmem:s31+$0x15] =	vst v62  }
0x222: {  	v27 =	vld.idx.msk [tilespmem:v27+s3+$0x0], $0xffff;
	_ =	sdelay $0x4  }
0x223: {  	v27 =	vmul.f32 v4, v27;
	_ =	sdelay $0x1  }
0x224: {  	v27 =	vmul.f32 $1.442695020e+00, v27;
	_ =	sdelay $0x1  }
0x225: {  	(erf) = vpow2.f32 v27;
	_ =	sdelay $0x8  }
0x226: {  	v27 =	vpop (erf)  }
0x227: {  	v63 =	vadd.f32 $1.000000000e+00, v27;
	_ =	sdelay $0x1  }
0x228: {  	(erf) = vrcp.f32 v63;
	_ =	sdelay $0x8  }
0x229: {  	v28 =	vpop (erf)  }
0x22a: {  	v27 =	vsel vm3, v28, v27  }
0x22b: {  	v26 =	vadd.f32 v27, v26;
	v27 =	vor.u32 v17, v25;
	_ =	sdelay $0x1  }
0x22c: {  	v26 =	vmul.f32 v26, v24;
	_ =	sdelay $0x1  }
0x22d: {  	[tilespmem:s31+$0x50] =	vst v26  }
0x22e: {  	v26 =	vld.idx.msk [tilespmem:v27+s3+$0x0], $0xffff;
	_ =	sdelay $0x4  }
0x22f: {  	v26 =	vsub.f32 $0.0e+00, v26;
	_ =	sdelay $0x1  }
0x230: {  	v26 =	vmul.f32 $1.442695020e+00, v26;
	_ =	sdelay $0x1  }
0x231: {  	(erf) = vpow2.f32 v26;
	_ =	sdelay $0x8  }
0x232: {  	v26 =	vpop (erf)  }
0x233: {  	v26 =	vadd.f32 $1.000000000e+00, v26;
	_ =	sdelay $0x1  }
0x234: {  	(erf) = vrcp.f32 v26;
	_ =	sdelay $0x5  }
0x235: {  	v26 =	vor.u32 v18, v25;
	_ =	sdelay $0x2  }
0x236: {  	v27 =	vpop (erf)  }
0x237: {  	[tilespmem:s31+$0x60] =	vst v27  }
0x238: {  	v26 =	vld.idx.msk [tilespmem:v26+s3+$0x0], $0xffff;
	_ =	sdelay $0x4  }
0x239: {  	v26 =	vsub.f32 $0.0e+00, v26;
	_ =	sdelay $0x1  }
0x23a: {  	v26 =	vmul.f32 $1.442695020e+00, v26;
	_ =	sdelay $0x1  }
0x23b: {  	(erf) = vpow2.f32 v26;
	_ =	sdelay $0x8  }
0x23c: {  	v26 =	vpop (erf)  }
0x23d: {  	v26 =	vadd.f32 $1.000000000e+00, v26;
	_ =	sdelay $0x1  }
0x23e: {  	(erf) = vrcp.f32 v26;
	_ =	sdelay $0x5  }
0x23f: {  	v26 =	vor.u32 v19, v25;
	_ =	sdelay $0x2  }
0x240: {  	v27 =	vpop (erf)  }
0x241: {  	[tilespmem:s31+$0x70] =	vst v27  }
0x242: {  	v26 =	vld.idx.msk [tilespmem:v26+s3+$0x0], $0xffff;
	_ =	sdelay $0x4  }
0x243: {  	v26 =	vsub.f32 $0.0e+00, v26;
	_ =	sdelay $0x1  }
0x244: {  	v26 =	vmul.f32 $1.442695020e+00, v26;
	_ =	sdelay $0x1  }
0x245: {  	(erf) = vpow2.f32 v26;
	_ =	sdelay $0x8  }
0x246: {  	v26 =	vpop (erf)  }
0x247: {  	v26 =	vadd.f32 $1.000000000e+00, v26;
	_ =	sdelay $0x1  }
0x248: {  	(erf) = vrcp.f32 v26;
	_ =	sdelay $0x5  }
0x249: {  	v26 =	vor.u32 v20, v25;
	_ =	sdelay $0x2  }
0x24a: {  	v27 =	vpop (erf)  }
0x24b: {  	[tilespmem:s31+$0x80] =	vst v27  }
0x24c: {  	v26 =	vld.idx.msk [tilespmem:v26+s3+$0x0], $0xffff;
	_ =	sdelay $0x4  }
0x24d: {  	v26 =	vsub.f32 $0.0e+00, v26;
	_ =	sdelay $0x1  }
0x24e: {  	v26 =	vmul.f32 $1.442695020e+00, v26;
	_ =	sdelay $0x1  }
0x24f: {  	(erf) = vpow2.f32 v26;
	_ =	sdelay $0x8  }
0x250: {  	v26 =	vpop (erf)  }
0x251: {  	v26 =	vadd.f32 $1.000000000e+00, v26;
	_ =	sdelay $0x1  }
0x252: {  	(erf) = vrcp.f32 v26;
	_ =	sdelay $0x5  }
0x253: {  	v25 =	vor.u32 v21, v25;
	_ =	sdelay $0x2  }
0x254: {  	v26 =	vpop (erf)  }
0x255: {  	[tilespmem:s31+$0x90] =	vst v26  }
0x256: {  	v25 =	vld.idx.msk [tilespmem:v25+s3+$0x0], $0xffff;
	_ =	sdelay $0x4  }
0x257: {  	v25 =	vsub.f32 $0.0e+00, v25;
	_ =	sdelay $0x1  }
0x258: {  	v25 =	vmul.f32 $1.442695020e+00, v25;
	_ =	sdelay $0x1  }
0x259: {  	(erf) = vpow2.f32 v25;
	_ =	sdelay $0x8  }
0x25a: {  	v25 =	vpop (erf)  }
0x25b: {  	v25 =	vadd.f32 $1.000000000e+00, v25;
	_ =	sdelay $0x1  }
0x25c: {  	(erf) = vrcp.f32 v25;
	_ =	sdelay $0x3  }
0x25d: {  	s18 =	sadd.s32 $0x1, s18  }
0x25e: {  	p0 =	sne.s32 s18, $0xB  }
.Ltmp1:
0x25f: {  	_ = 	snop;
	(pc) =	sbr.rel @p0 .LBB2_2-.Ltmp1, $3  }
0x260: {  	_ =	sdelay $0x1  }
0x261: {  	v25 =	vpop (erf)  }
0x262: {  	s17 =	sadd.s32 $0x1C80, s17;
	[tilespmem:s31+$0x95] =	vst v25  }
0x263: {  	s17 =	simm.s32 $0x0  }
0x264: {  	[tilespmem:s17], [sflag:$0x1] =	stream.strided.gather [hbm4b:s8+s13], $0x7F80, s14, s13, $0x38;
	[tilespmem:$0x1C080] =	vst v63  }
0x265: {  	_ =	swait.ge [sflag:s7], $0x7F80  }
0x266: {  	[sflag:s7] =	ssyncset.done $0x0  }
0x267: {  	p0 =	por $0x1, $0x1;
	[sflag:s7] =	ssyncadd.s32 $0xFFFF8080  }
.LBB2_6:
0x268: {  	v25 =	vmov s17  }
0x269: {  	v25 =	vand.u32 $0x7F, v25  }
0x26a: {  	v25 =	vbroadcast v25, $0x0;
	_ =	sdelay $0x1  }
0x26b: {  	v26 =	vor.u32 v3, v25;
	_ =	sdelay $0x4  }
0x26c: {  	v26 =	vld.idx.msk [tilespmem:v26+s3+$0x0], $0xffff;
	_ =	sdelay $0x4  }
0x26d: {  	v26 =	vmul.f32 v4, v26;
	_ =	sdelay $0x1  }
0x26e: {  	v26 =	vmul.f32 $1.442695020e+00, v26;
	_ =	sdelay $0x1  }
0x26f: {  	(erf) = vpow2.f32 v26;
	_ =	sdelay $0x8  }
0x270: {  	v27 =	vpop (erf)  }
0x271: {  	v26 =	vadd.f32 $1.000000000e+00, v27;
	_ =	sdelay $0x1  }
0x272: {  	(erf) = vrcp.f32 v26;
	_ =	sdelay $0x5  }
0x273: {  	s18 =	scvt.s32.f32 s17;
	_ =	sdelay $0x1  }
0x274: {  	v26 =	vmov s18  }
0x275: {  	v26 =	vnsel vm1, $0x0, v26;
	v28 =	vpop (erf)  }
0x276: {  	v26 =	vsel vm2, s9, v26;
	v27 =	vsel vm3, v28, v27  }
0x277: {  	v50 =	vor.u32 v5, v25;
	v27 =	vadd.f32 v27, v26  }
0x278: {  	s31 =	smul.u32 $0x600, s17  }
0x279: {  	v27 =	vmul.f32 v27, v22  }
0x27a: {  	s17 =	sshra.s32 s31, $0x2  }
0x27b: {  	[tilespmem:s17+$0x1B980] =	vst v27  }
0x27c: {  	v27 =	vld.idx.msk [tilespmem:v50+s3+$0x0], $0xffff;
	_ =	sdelay $0x4  }
0x27d: {  	v27 =	vsub.f32 $0.0e+00, v27;
	_ =	sdelay $0x1  }
0x27e: {  	v27 =	vmul.f32 $1.442695020e+00, v27;
	_ =	sdelay $0x1  }
0x27f: {  	(erf) = vpow2.f32 v27;
	_ =	sdelay $0x8  }
0x280: {  	v27 =	vpop (erf)  }
0x281: {  	v27 =	vadd.f32 $1.000000000e+00, v27;
	_ =	sdelay $0x1  }
0x282: {  	(erf) = vrcp.f32 v27;
	_ =	sdelay $0x5  }
0x283: {  	v27 =	vor.u32 v6, v25;
	_ =	sdelay $0x2  }
0x284: {  	v51 =	vpop (erf)  }
0x285: {  	[tilespmem:s17+$0x1B990] =	vst v51  }
0x286: {  	v27 =	vld.idx.msk [tilespmem:v27+s3+$0x0], $0xffff;
	_ =	sdelay $0x4  }
0x287: {  	v27 =	vsub.f32 $0.0e+00, v27;
	_ =	sdelay $0x1  }
0x288: {  	v27 =	vmul.f32 $1.442695020e+00, v27;
	_ =	sdelay $0x1  }
0x289: {  	(erf) = vpow2.f32 v27;
	_ =	sdelay $0x8  }
0x28a: {  	v27 =	vpop (erf)  }
0x28b: {  	v27 =	vadd.f32 $1.000000000e+00, v27;
	_ =	sdelay $0x1  }
0x28c: {  	(erf) = vrcp.f32 v27;
	_ =	sdelay $0x5  }
0x28d: {  	v27 =	vor.u32 v7, v25;
	_ =	sdelay $0x2  }
0x28e: {  	v52 =	vpop (erf)  }
0x28f: {  	[tilespmem:s17+$0x1B9A0] =	vst v52  }
0x290: {  	v27 =	vld.idx.msk [tilespmem:v27+s3+$0x0], $0xffff;
	_ =	sdelay $0x4  }
0x291: {  	v27 =	vsub.f32 $0.0e+00, v27;
	_ =	sdelay $0x1  }
0x292: {  	v27 =	vmul.f32 $1.442695020e+00, v27;
	_ =	sdelay $0x1  }
0x293: {  	(erf) = vpow2.f32 v27;
	_ =	sdelay $0x8  }
0x294: {  	v27 =	vpop (erf)  }
0x295: {  	v27 =	vadd.f32 $1.000000000e+00, v27;
	_ =	sdelay $0x1  }
0x296: {  	(erf) = vrcp.f32 v27;
	_ =	sdelay $0x5  }
0x297: {  	v27 =	vor.u32 v8, v25;
	_ =	sdelay $0x2  }
0x298: {  	v53 =	vpop (erf)  }
0x299: {  	[tilespmem:s17+$0x1B9B0] =	vst v53  }
0x29a: {  	v27 =	vld.idx.msk [tilespmem:v27+s3+$0x0], $0xffff;
	_ =	sdelay $0x4  }
0x29b: {  	v27 =	vsub.f32 $0.0e+00, v27;
	_ =	sdelay $0x1  }
0x29c: {  	v27 =	vmul.f32 $1.442695020e+00, v27;
	_ =	sdelay $0x1  }
0x29d: {  	(erf) = vpow2.f32 v27;
	_ =	sdelay $0x8  }
0x29e: {  	v27 =	vpop (erf)  }
0x29f: {  	v27 =	vadd.f32 $1.000000000e+00, v27;
	_ =	sdelay $0x1  }
0x2a0: {  	(erf) = vrcp.f32 v27;
	_ =	sdelay $0x5  }
0x2a1: {  	v27 =	vor.u32 v9, v25;
	_ =	sdelay $0x2  }
0x2a2: {  	v54 =	vpop (erf)  }
0x2a3: {  	[tilespmem:s17+$0x1B9C0] =	vst v54  }
0x2a4: {  	v27 =	vld.idx.msk [tilespmem:v27+s3+$0x0], $0xffff;
	_ =	sdelay $0x4  }
0x2a5: {  	v27 =	vsub.f32 $0.0e+00, v27;
	_ =	sdelay $0x1  }
0x2a6: {  	v27 =	vmul.f32 $1.442695020e+00, v27;
	_ =	sdelay $0x1  }
0x2a7: {  	(erf) = vpow2.f32 v27;
	_ =	sdelay $0x8  }
0x2a8: {  	v27 =	vpop (erf)  }
0x2a9: {  	v27 =	vadd.f32 $1.000000000e+00, v27;
	_ =	sdelay $0x1  }
0x2aa: {  	(erf) = vrcp.f32 v27;
	_ =	sdelay $0x5  }
0x2ab: {  	v27 =	vor.u32 v10, v25;
	_ =	sdelay $0x2  }
0x2ac: {  	v55 =	vpop (erf)  }
0x2ad: {  	[tilespmem:s17+$0x1B9C5] =	vst v55  }
0x2ae: {  	v27 =	vld.idx.msk [tilespmem:v27+s3+$0x0], $0xffff;
	_ =	sdelay $0x4  }
0x2af: {  	v27 =	vmul.f32 v4, v27;
	_ =	sdelay $0x1  }
0x2b0: {  	v27 =	vmul.f32 $1.442695020e+00, v27;
	_ =	sdelay $0x1  }
0x2b1: {  	(erf) = vpow2.f32 v27;
	_ =	sdelay $0x8  }
0x2b2: {  	v27 =	vpop (erf)  }
0x2b3: {  	v56 =	vadd.f32 $1.000000000e+00, v27;
	_ =	sdelay $0x1  }
0x2b4: {  	(erf) = vrcp.f32 v56;
	_ =	sdelay $0x8  }
0x2b5: {  	v28 =	vpop (erf)  }
0x2b6: {  	v27 =	vsel vm3, v28, v27  }
0x2b7: {  	v57 =	vor.u32 v11, v25;
	v27 =	vadd.f32 v27, v26;
	_ =	sdelay $0x1  }
0x2b8: {  	v27 =	vmul.f32 v27, v23;
	_ =	sdelay $0x1  }
0x2b9: {  	[tilespmem:s17+$0x1BA00] =	vst v27  }
0x2ba: {  	v27 =	vld.idx.msk [tilespmem:v57+s3+$0x0], $0xffff;
	_ =	sdelay $0x4  }
0x2bb: {  	v27 =	vsub.f32 $0.0e+00, v27;
	_ =	sdelay $0x1  }
0x2bc: {  	v27 =	vmul.f32 $1.442695020e+00, v27;
	_ =	sdelay $0x1  }
0x2bd: {  	(erf) = vpow2.f32 v27;
	_ =	sdelay $0x8  }
0x2be: {  	v27 =	vpop (erf)  }
0x2bf: {  	v27 =	vadd.f32 $1.000000000e+00, v27;
	_ =	sdelay $0x1  }
0x2c0: {  	(erf) = vrcp.f32 v27;
	_ =	sdelay $0x5  }
0x2c1: {  	v27 =	vor.u32 v12, v25;
	_ =	sdelay $0x2  }
0x2c2: {  	v58 =	vpop (erf)  }
0x2c3: {  	[tilespmem:s17+$0x1BA10] =	vst v58  }
0x2c4: {  	v27 =	vld.idx.msk [tilespmem:v27+s3+$0x0], $0xffff;
	_ =	sdelay $0x4  }
0x2c5: {  	v27 =	vsub.f32 $0.0e+00, v27;
	_ =	sdelay $0x1  }
0x2c6: {  	v27 =	vmul.f32 $1.442695020e+00, v27;
	_ =	sdelay $0x1  }
0x2c7: {  	(erf) = vpow2.f32 v27;
	_ =	sdelay $0x8  }
0x2c8: {  	v27 =	vpop (erf)  }
0x2c9: {  	v27 =	vadd.f32 $1.000000000e+00, v27;
	_ =	sdelay $0x1  }
0x2ca: {  	(erf) = vrcp.f32 v27;
	_ =	sdelay $0x5  }
0x2cb: {  	v27 =	vor.u32 v13, v25;
	_ =	sdelay $0x2  }
0x2cc: {  	v59 =	vpop (erf)  }
0x2cd: {  	[tilespmem:s17+$0x1BA20] =	vst v59  }
0x2ce: {  	v27 =	vld.idx.msk [tilespmem:v27+s3+$0x0], $0xffff;
	_ =	sdelay $0x4  }
0x2cf: {  	v27 =	vsub.f32 $0.0e+00, v27;
	_ =	sdelay $0x1  }
0x2d0: {  	v27 =	vmul.f32 $1.442695020e+00, v27;
	_ =	sdelay $0x1  }
0x2d1: {  	(erf) = vpow2.f32 v27;
	_ =	sdelay $0x8  }
0x2d2: {  	v27 =	vpop (erf)  }
0x2d3: {  	v27 =	vadd.f32 $1.000000000e+00, v27;
	_ =	sdelay $0x1  }
0x2d4: {  	(erf) = vrcp.f32 v27;
	_ =	sdelay $0x5  }
0x2d5: {  	v27 =	vor.u32 v14, v25;
	_ =	sdelay $0x2  }
0x2d6: {  	v60 =	vpop (erf)  }
0x2d7: {  	[tilespmem:s17+$0x1BA30] =	vst v60  }
0x2d8: {  	v27 =	vld.idx.msk [tilespmem:v27+s3+$0x0], $0xffff;
	_ =	sdelay $0x4  }
0x2d9: {  	v27 =	vsub.f32 $0.0e+00, v27;
	_ =	sdelay $0x1  }
0x2da: {  	v27 =	vmul.f32 $1.442695020e+00, v27;
	_ =	sdelay $0x1  }
0x2db: {  	(erf) = vpow2.f32 v27;
	_ =	sdelay $0x8  }
0x2dc: {  	v27 =	vpop (erf)  }
0x2dd: {  	v27 =	vadd.f32 $1.000000000e+00, v27;
	_ =	sdelay $0x1  }
0x2de: {  	(erf) = vrcp.f32 v27;
	_ =	sdelay $0x5  }
0x2df: {  	v27 =	vor.u32 v15, v25;
	_ =	sdelay $0x2  }
0x2e0: {  	v61 =	vpop (erf)  }
0x2e1: {  	[tilespmem:s17+$0x1BA40] =	vst v61  }
0x2e2: {  	v27 =	vld.idx.msk [tilespmem:v27+s3+$0x0], $0xffff;
	_ =	sdelay $0x4  }
0x2e3: {  	v27 =	vsub.f32 $0.0e+00, v27;
	_ =	sdelay $0x1  }
0x2e4: {  	v27 =	vmul.f32 $1.442695020e+00, v27;
	_ =	sdelay $0x1  }
0x2e5: {  	(erf) = vpow2.f32 v27;
	_ =	sdelay $0x8  }
0x2e6: {  	v27 =	vpop (erf)  }
0x2e7: {  	v27 =	vadd.f32 $1.000000000e+00, v27;
	_ =	sdelay $0x1  }
0x2e8: {  	(erf) = vrcp.f32 v27;
	_ =	sdelay $0x5  }
0x2e9: {  	v27 =	vor.u32 v16, v25;
	_ =	sdelay $0x2  }
0x2ea: {  	v62 =	vpop (erf)  }
0x2eb: {  	[tilespmem:s17+$0x1BA45] =	vst v62  }
0x2ec: {  	v27 =	vld.idx.msk [tilespmem:v27+s3+$0x0], $0xffff;
	_ =	sdelay $0x4  }
0x2ed: {  	v27 =	vmul.f32 v4, v27;
	_ =	sdelay $0x1  }
0x2ee: {  	v27 =	vmul.f32 $1.442695020e+00, v27;
	_ =	sdelay $0x1  }
0x2ef: {  	(erf) = vpow2.f32 v27;
	_ =	sdelay $0x8  }
0x2f0: {  	v27 =	vpop (erf)  }
0x2f1: {  	v63 =	vadd.f32 $1.000000000e+00, v27;
	_ =	sdelay $0x1  }
0x2f2: {  	(erf) = vrcp.f32 v63;
	_ =	sdelay $0x8  }
0x2f3: {  	v28 =	vpop (erf)  }
0x2f4: {  	v27 =	vsel vm3, v28, v27  }
0x2f5: {  	v26 =	vadd.f32 v27, v26;
	v27 =	vor.u32 v17, v25;
	_ =	sdelay $0x1  }
0x2f6: {  	v26 =	vmul.f32 v26, v24;
	_ =	sdelay $0x1  }
0x2f7: {  	[tilespmem:s17+$0x1BA80] =	vst v26  }
0x2f8: {  	v26 =	vld.idx.msk [tilespmem:v27+s3+$0x0], $0xffff;
	_ =	sdelay $0x4  }
0x2f9: {  	v26 =	vsub.f32 $0.0e+00, v26;
	_ =	sdelay $0x1  }
0x2fa: {  	v26 =	vmul.f32 $1.442695020e+00, v26;
	_ =	sdelay $0x1  }
0x2fb: {  	(erf) = vpow2.f32 v26;
	_ =	sdelay $0x8  }
0x2fc: {  	v26 =	vpop (erf)  }
0x2fd: {  	v26 =	vadd.f32 $1.000000000e+00, v26;
	_ =	sdelay $0x1  }
0x2fe: {  	(erf) = vrcp.f32 v26;
	_ =	sdelay $0x5  }
0x2ff: {  	v26 =	vor.u32 v18, v25;
	_ =	sdelay $0x2  }
0x300: {  	v27 =	vpop (erf)  }
0x301: {  	[tilespmem:s17+$0x1BA90] =	vst v27  }
0x302: {  	v26 =	vld.idx.msk [tilespmem:v26+s3+$0x0], $0xffff;
	_ =	sdelay $0x4  }
0x303: {  	v26 =	vsub.f32 $0.0e+00, v26;
	_ =	sdelay $0x1  }
0x304: {  	v26 =	vmul.f32 $1.442695020e+00, v26;
	_ =	sdelay $0x1  }
0x305: {  	(erf) = vpow2.f32 v26;
	_ =	sdelay $0x8  }
0x306: {  	v26 =	vpop (erf)  }
0x307: {  	v26 =	vadd.f32 $1.000000000e+00, v26;
	_ =	sdelay $0x1  }
0x308: {  	(erf) = vrcp.f32 v26;
	_ =	sdelay $0x5  }
0x309: {  	v26 =	vor.u32 v19, v25;
	_ =	sdelay $0x2  }
0x30a: {  	v27 =	vpop (erf)  }
0x30b: {  	[tilespmem:s17+$0x1BAA0] =	vst v27  }
0x30c: {  	v26 =	vld.idx.msk [tilespmem:v26+s3+$0x0], $0xffff;
	_ =	sdelay $0x4  }
0x30d: {  	v26 =	vsub.f32 $0.0e+00, v26;
	_ =	sdelay $0x1  }
0x30e: {  	v26 =	vmul.f32 $1.442695020e+00, v26;
	_ =	sdelay $0x1  }
0x30f: {  	(erf) = vpow2.f32 v26;
	_ =	sdelay $0x8  }
0x310: {  	v26 =	vpop (erf)  }
0x311: {  	v26 =	vadd.f32 $1.000000000e+00, v26;
	_ =	sdelay $0x1  }
0x312: {  	(erf) = vrcp.f32 v26;
	_ =	sdelay $0x5  }
0x313: {  	v26 =	vor.u32 v20, v25;
	_ =	sdelay $0x2  }
0x314: {  	v27 =	vpop (erf)  }
0x315: {  	[tilespmem:s17+$0x1BAB0] =	vst v27  }
0x316: {  	v26 =	vld.idx.msk [tilespmem:v26+s3+$0x0], $0xffff;
	_ =	sdelay $0x4  }
0x317: {  	v26 =	vsub.f32 $0.0e+00, v26;
	_ =	sdelay $0x1  }
0x318: {  	v26 =	vmul.f32 $1.442695020e+00, v26;
	_ =	sdelay $0x1  }
0x319: {  	(erf) = vpow2.f32 v26;
	_ =	sdelay $0x8  }
0x31a: {  	v26 =	vpop (erf)  }
0x31b: {  	v26 =	vadd.f32 $1.000000000e+00, v26;
	_ =	sdelay $0x1  }
0x31c: {  	(erf) = vrcp.f32 v26;
	_ =	sdelay $0x5  }
0x31d: {  	v25 =	vor.u32 v21, v25;
	_ =	sdelay $0x2  }
0x31e: {  	v26 =	vpop (erf)  }
0x31f: {  	[tilespmem:s17+$0x1BAC0] =	vst v26  }
0x320: {  	v25 =	vld.idx.msk [tilespmem:v25+s3+$0x0], $0xffff;
	_ =	sdelay $0x4  }
0x321: {  	v25 =	vsub.f32 $0.0e+00, v25;
	_ =	sdelay $0x1  }
0x322: {  	v25 =	vmul.f32 $1.442695020e+00, v25;
	_ =	sdelay $0x1  }
0x323: {  	(erf) = vpow2.f32 v25;
	_ =	sdelay $0x8  }
0x324: {  	v25 =	vpop (erf)  }
0x325: {  	v25 =	vadd.f32 $1.000000000e+00, v25;
	_ =	sdelay $0x1  }
0x326: {  	(erf) = vrcp.f32 v25;
	_ =	sdelay $0x4  }
0x327: {  	p1 =	por p0, p0  }
.Ltmp2:
0x328: {  	_ = 	snop;
	(pc) =	sbr.rel @p1 .LBB2_6-.Ltmp2, $3  }
0x329: {  	_ =	sdelay $0x1  }
0x32a: {  	v25 =	vpop (erf)  }
0x32b: {  	p0 =	por $0x0, $0x0;
	[tilespmem:s17+$0x1BAC5] =	vst v25;
	s17 =	simm.s32 $0x1  }
0x32c: {  	s16 =	sadd.s32 $0x1, s16  }
0x32d: {  	p0 =	sne.s32 s16, s11  }
.Ltmp3:
0x32e: {  	_ = 	snop;
	(pc) =	sbr.rel @p0 .LBB2_1-.Ltmp3, $4  }
0x32f: {  	[hbm4b:s10+s3] =	stream.linear.scatter [tilespmem:s15], [sflag:$0x1], $0x13C00, $0x38;
	[tilespmem:$0x1C080] =	vst v63  }
0x330: {  	_ =	swait.ge [sflag:s7], $0x13C00  }
0x331: {  	[sflag:s7] =	ssyncset.done $0x0  }
0x332: {  	[sflag:s7] =	ssyncadd.s32 $0xFFFEC400  }
0x333: {  	_ =	sfence.sel $0x180000  }
0x334: {  	[bflag:$0x0] =	sbarrier.arrive $0xFFFF  }
0x335: {  	p0 =	sne.s32 s0, $0x0;
	_ =	strace $0x90000047  }
0x336: {  	s0 =	sadd.s32 @!p0 $0x100000, s1;
	[bflag:$0x2] =	sbarrier.arrive $0xFFFF  }
0x337: {  	[sflag:s0] =	ssyncadd.tile.s32 @!p0 $0x1;
	_ =	shalt  }
.Lfunc_end2:
_tile_overlayer_lowered:
.L_overlay_start_2:
0x338: {  	(tag) =	ssettag $0x2  }
0x339: {  	s0 =	rddreg [dreg:$0x0];
	s2 =	stileid.u32  }
0x33a: {  	s1 =	rddreg [dreg:$0x1];
	p0 =	sne.s32 s2, $0x0  }
0x33b: {  	s3 =	rddreg [dreg:$0x2];
	[bflag:$0x3] =	sbarrier.arrive $0xFFFF;
	s2 =	simm.s32 @!p0 $0x1C01  }
0x33c: {  	[timem:s3], [sflag:s2] =	dma.local @!p0 [hbm:s0], s1  }
0x33d: {  	s0 =	simm.s32 @!p0 $0x1  }
0x33e: {  	_ =	swait.ge @!p0 [sflag:s0], s1  }
0x33f: {  	s1 =	ssub.s32 @!p0 $0x0, s1;
	[sflag:s0] =	ssyncset.done @!p0 $0x0  }
0x340: {  	[sflag:s0] =	ssyncadd.s32 @!p0 s1  }
0x341: {  	[bflag:$0x3] =	sbarrier.arrive $0xFFFF  }
0x342: {  	_ =	shalt  }

</sc_bundles>
